<compile_context>
chip_gen: v7x
topology: tpu7x:2x2x1
jax: 0.10.2.dev20260603
libtpu: 0.0.44.dev20260713+nightly
codegen_flags: <defaults>
</compile_context>

<pallas_src>
import functools

import jax
import jax.numpy as jnp
from jax import lax
from jax.experimental import pallas as pl
from jax.experimental.pallas import tpu as pltpu
from jax.experimental.pallas import tpu_sc as plsc

_NC = 2
_NS = 16
_NW = _NC * _NS
_RCHUNK = 16


@functools.lru_cache(maxsize=None)
def _build(b_rows: int, p: int, dim: int):
    rows_per_w = b_rows // _NW
    n_chunks = rows_per_w // _RCHUNK
    mesh = plsc.VectorSubcoreMesh(
        core_axis_name="c", subcore_axis_name="s", num_cores=_NC, num_subcores=_NS
    )

    @functools.partial(
        pl.kernel,
        out_type=jax.ShapeDtypeStruct((b_rows, p, dim), jnp.float32),
        mesh=mesh,
        compiler_params=pltpu.CompilerParams(use_tc_tiling_on_sc=False),
        scratch_types=[
            pltpu.VMEM((rows_per_w, p), jnp.int32),
            pltpu.VMEM((_RCHUNK, p, dim), jnp.float32),
            pltpu.VMEM((_RCHUNK, p, dim), jnp.float32),
            pltpu.SemaphoreType.DMA,
            pltpu.SemaphoreType.DMA,
            pltpu.SemaphoreType.DMA,
            pltpu.SemaphoreType.DMA,
        ],
    )
    def emb(table, idx, out, idx_v, rows0, rows1, gsem0, gsem1, osem0, osem1):
        wid = lax.axis_index("s") * _NC + lax.axis_index("c")
        base = wid * rows_per_w
        rows = (rows0, rows1)
        gsem = (gsem0, gsem1)
        osem = (osem0, osem1)

        pltpu.sync_copy(idx.at[pl.ds(base, rows_per_w)], idx_v)

        def gstart(g, b):
            for k in range(_RCHUNK):
                pltpu.async_copy(
                    table.at[idx_v.at[g * _RCHUNK + k]],
                    rows[b].at[k],
                    gsem[b],
                )

        def gwait(b):
            pltpu.make_async_copy(
                out.at[pl.ds(base, _RCHUNK)], rows[b], gsem[b]
            ).wait()

        def ostart(g, b):
            pltpu.async_copy(
                rows[b], out.at[pl.ds(base + g * _RCHUNK, _RCHUNK)], osem[b]
            )

        def owait(b):
            pltpu.make_async_copy(
                rows[b], out.at[pl.ds(base, _RCHUNK)], osem[b]
            ).wait()

        gstart(0, 0)
        gwait(0)
        ostart(0, 0)
        gstart(1, 1)

        def steady(i, _):
            g = 1 + i * 2
            for j in range(2):
                b = (1 + j) % 2
                gwait(b)
                ostart(g + j, b)
                owait(1 - b)
                gstart(g + j + 1, 1 - b)
            return 0

        lax.fori_loop(0, (n_chunks - 2) // 2, steady, 0, unroll=False)

        g_last = n_chunks - 1
        b_last = g_last % 2
        gwait(b_last)
        ostart(g_last, b_last)
        owait(0)
        owait(1)

    return emb


def kernel(x, embedding):
    b_rows, p = x.shape
    dim = embedding.shape[1]
    idx = x.astype(jnp.int32)
    grain = 2 * _NW * _RCHUNK
    b_pad = ((b_rows + grain - 1) // grain) * grain
    if b_pad != b_rows:
        idx = jnp.concatenate(
            [idx, jnp.zeros((b_pad - b_rows, p), jnp.int32)], axis=0
        )
    out = _build(b_pad, p, dim)(embedding, idx)
    if b_pad != b_rows:
        out = out[:b_rows]
    return out

# --- scband reference (transcript-rebuilt; emitter-appended) ---
"""Pipeline reference for scband-embedding-89111981457732 (READ-ONLY COPY).

The authoritative reference and input builder live on the scoring server;
editing this copy changes nothing except your own understanding.
"""

import jax, jax.numpy as jnp
import numpy as np

NUM_EMBEDDINGS = 1000000
EMBEDDING_DIM = 64

def _trunc_normal(key, shape, mean=0.0, std=1.0, a=-3.0, b=3.0):
    # truncated normal in [a, b] (std=1, mean=0 -> same bounds)
    lo = (a - mean) / std
    hi = (b - mean) / std
    return jax.random.truncated_normal(key, lo, hi, shape, dtype=jnp.float32) * std + mean

def setup_inputs(seed: int = 0) -> dict:
    key = jax.random.key(seed)
    k_idx, k_emb = jax.random.split(key)
    x = jax.random.randint(k_idx, (16384, 50), 0, NUM_EMBEDDINGS, dtype=jnp.int64 if jax.config.jax_enable_x64 else jnp.int32)
    embedding = _trunc_normal(k_emb, (NUM_EMBEDDINGS, EMBEDDING_DIM))
    return {"x": x, "embedding": embedding}

def reference(x, embedding):
    # Faithful to torch: self.embedding[x]
    return jnp.take(embedding, x, axis=0)

if __name__ == "__main__":
    import jax
    _d = setup_inputs()
    print(jax.jit(kernel)(*tuple(_d.values())))

</pallas_src>

<mosaic_0001>
#map = affine_map<(d0, d1) -> (0, 0)>
#map1 = affine_map<(d0, d1) -> (0, 0, 0)>
module attributes {stable_mosaic.version = 14 : i64} {
  func.func @emb(%arg0: i32, %arg1: i32, %arg2: memref<1000000x64xf32, #tpu.memory_space<hbm>>, %arg3: memref<16384x50xi32, #tpu.memory_space<hbm>>, %arg4: memref<16384x50x64xf32, #tpu.memory_space<hbm>>, %arg5: memref<512x50xi32, #tpu.memory_space<vmem>>, %arg6: memref<16x50x64xf32, #tpu.memory_space<vmem>>, %arg7: memref<16x50x64xf32, #tpu.memory_space<vmem>>, %arg8: memref<!tpu.dma_semaphore, #tpu.memory_space<semaphore_mem>>, %arg9: memref<!tpu.dma_semaphore, #tpu.memory_space<semaphore_mem>>, %arg10: memref<!tpu.dma_semaphore, #tpu.memory_space<semaphore_mem>>, %arg11: memref<!tpu.dma_semaphore, #tpu.memory_space<semaphore_mem>>) attributes {dimension_semantics = [#tpu.dimension_semantics<core_parallel>, #tpu.dimension_semantics<subcore_parallel>], iteration_bounds = array<i64: 2, 16>, scalar_prefetch = 0 : i64, scratch_operands = 7 : i64, tpu.core_type = #tpu.core_type<sc_vector_subcore>, window_params = [{transform_indices = #map}, {transform_indices = #map}, {transform_indices = #map1}]} {
    %mul3A = arith.constant 2 : i32
    %mul3A_0 = arith.muli %arg1, %mul3A : i32
    %add3A = arith.addi %mul3A_0, %arg0 : i32
    %mul3A_1 = arith.constant 512 : i32
    %mul3A_2 = arith.muli %add3A, %mul3A_1 : i32
    "tpu.region"() ({
      %run_scoped3A = tpu.sem_alloc : memref<!tpu.dma_semaphore, #tpu.memory_space<semaphore_mem>>
      %dma_start3A_431 = arith.constant 0 : i32
      %dma_start3A_432 = tpu.memref_slice %arg3[%mul3A_2, %dma_start3A_431] : memref<16384x50xi32, #tpu.memory_space<hbm>> -> memref<512x50xi32, #tpu.memory_space<hbm>>
      %dma_start3A_433 = arith.constant 0 : i32
      %dma_start3A_434 = tpu.memref_slice %arg3[%mul3A_2, %dma_start3A_433] : memref<16384x50xi32, #tpu.memory_space<hbm>> -> memref<512x50xi32, #tpu.memory_space<hbm>>
      tpu.enqueue_dma source(%dma_start3A_434 : memref<512x50xi32, #tpu.memory_space<hbm>>) target(%arg5 : memref<512x50xi32, #tpu.memory_space<vmem>>) target_semaphore(%run_scoped3A : memref<!tpu.dma_semaphore, #tpu.memory_space<semaphore_mem>>)
      %dma_wait3A_435 = arith.constant 0 : i32
      %dma_wait3A_436 = tpu.memref_slice %arg3[%mul3A_2, %dma_wait3A_435] : memref<16384x50xi32, #tpu.memory_space<hbm>> -> memref<512x50xi32, #tpu.memory_space<hbm>>
      %dma_wait3A_437 = arith.constant 0 : i32
      %dma_wait3A_438 = tpu.memref_slice %arg3[%mul3A_2, %dma_wait3A_437] : memref<16384x50xi32, #tpu.memory_space<hbm>> -> memref<512x50xi32, #tpu.memory_space<hbm>>
      tpu.wait_dma2 semaphore(%run_scoped3A : memref<!tpu.dma_semaphore, #tpu.memory_space<semaphore_mem>>) src(%dma_wait3A_438 : memref<512x50xi32, #tpu.memory_space<hbm>>) dst(%arg5 : memref<512x50xi32, #tpu.memory_space<vmem>>)
      tpu.yield
    }) : () -> ()
    %dma_start3A = arith.constant 0 : i32
    %dma_start3A_3 = arith.constant 0 : i32
    %dma_start3A_4 = arith.constant 0 : i32
    %dma_start3A_5 = arith.constant 0 : i32
    %dma_start3A_6 = tpu.memref_slice %arg6[%dma_start3A_3, %dma_start3A_4, %dma_start3A_5] : memref<16x50x64xf32, #tpu.memory_space<vmem>> -> memref<1x50x64xf32, #tpu.memory_space<vmem>>
    %dma_start3A_7 = tpu.memref_squeeze %dma_start3A_6 : memref<1x50x64xf32, #tpu.memory_space<vmem>> -> memref<50x64xf32, #tpu.memory_space<vmem>>
    %dma_start3A_8 = arith.constant 0 : i32
    %dma_start3A_9 = tpu.memref_slice %arg5[%dma_start3A, %dma_start3A_8] : memref<512x50xi32, #tpu.memory_space<vmem>> -> memref<1x50xi32, #tpu.memory_space<vmem>>
    %dma_start3A_10 = tpu.memref_squeeze %dma_start3A_9 : memref<1x50xi32, #tpu.memory_space<vmem>> -> memref<50xi32, #tpu.memory_space<vmem>>
    %dma_start3A_11 = arith.constant 0 : i32
    %dma_start3A_12 = arith.constant 0 : i32
    %dma_start3A_13 = tpu.memref_slice %arg2[%dma_start3A_11, %dma_start3A_12] : memref<1000000x64xf32, #tpu.memory_space<hbm>> -> memref<1000000x64xf32, #tpu.memory_space<hbm>>
    tpu.enqueue_indirect_dma source(%dma_start3A_13 : memref<1000000x64xf32, #tpu.memory_space<hbm>>) target(%dma_start3A_7 : memref<50x64xf32, #tpu.memory_space<vmem>>) offsets(%dma_start3A_10 : memref<50xi32, #tpu.memory_space<vmem>>) semaphore(%arg8 : memref<!tpu.dma_semaphore, #tpu.memory_space<semaphore_mem>>)
    %dma_start3A_14 = arith.constant 1 : i32
    %dma_start3A_15 = arith.constant 1 : i32
    %dma_start3A_16 = arith.constant 0 : i32
    %dma_start3A_17 = arith.constant 0 : i32
    %dma_start3A_18 = tpu.memref_slice %arg6[%dma_start3A_15, %dma_start3A_16, %dma_start3A_17] : memref<16x50x64xf32, #tpu.memory_space<vmem>> -> memref<1x50x64xf32, #tpu.memory_space<vmem>>
    %dma_start3A_19 = tpu.memref_squeeze %dma_start3A_18 : memref<1x50x64xf32, #tpu.memory_space<vmem>> -> memref<50x64xf32, #tpu.memory_space<vmem>>
    %dma_start3A_20 = arith.constant 0 : i32
    %dma_start3A_21 = tpu.memref_slice %arg5[%dma_start3A_14, %dma_start3A_20] : memref<512x50xi32, #tpu.memory_space<vmem>> -> memref<1x50xi32, #tpu.memory_space<vmem>>
    %dma_start3A_22 = tpu.memref_squeeze %dma_start3A_21 : memref<1x50xi32, #tpu.memory_space<vmem>> -> memref<50xi32, #tpu.memory_space<vmem>>
    %dma_start3A_23 = arith.constant 0 : i32
    %dma_start3A_24 = arith.constant 0 : i32
    %dma_start3A_25 = tpu.memref_slice %arg2[%dma_start3A_23, %dma_start3A_24] : memref<1000000x64xf32, #tpu.memory_space<hbm>> -> memref<1000000x64xf32, #tpu.memory_space<hbm>>
    tpu.enqueue_indirect_dma source(%dma_start3A_25 : memref<1000000x64xf32, #tpu.memory_space<hbm>>) target(%dma_start3A_19 : memref<50x64xf32, #tpu.memory_space<vmem>>) offsets(%dma_start3A_22 : memref<50xi32, #tpu.memory_space<vmem>>) semaphore(%arg8 : memref<!tpu.dma_semaphore, #tpu.memory_space<semaphore_mem>>)
    %dma_start3A_26 = arith.constant 2 : i32
    %dma_start3A_27 = arith.constant 2 : i32
    %dma_start3A_28 = arith.constant 0 : i32
    %dma_start3A_29 = arith.constant 0 : i32
    %dma_start3A_30 = tpu.memref_slice %arg6[%dma_start3A_27, %dma_start3A_28, %dma_start3A_29] : memref<16x50x64xf32, #tpu.memory_space<vmem>> -> memref<1x50x64xf32, #tpu.memory_space<vmem>>
    %dma_start3A_31 = tpu.memref_squeeze %dma_start3A_30 : memref<1x50x64xf32, #tpu.memory_space<vmem>> -> memref<50x64xf32, #tpu.memory_space<vmem>>
    %dma_start3A_32 = arith.constant 0 : i32
    %dma_start3A_33 = tpu.memref_slice %arg5[%dma_start3A_26, %dma_start3A_32] : memref<512x50xi32, #tpu.memory_space<vmem>> -> memref<1x50xi32, #tpu.memory_space<vmem>>
    %dma_start3A_34 = tpu.memref_squeeze %dma_start3A_33 : memref<1x50xi32, #tpu.memory_space<vmem>> -> memref<50xi32, #tpu.memory_space<vmem>>
    %dma_start3A_35 = arith.constant 0 : i32
    %dma_start3A_36 = arith.constant 0 : i32
    %dma_start3A_37 = tpu.memref_slice %arg2[%dma_start3A_35, %dma_start3A_36] : memref<1000000x64xf32, #tpu.memory_space<hbm>> -> memref<1000000x64xf32, #tpu.memory_space<hbm>>
    tpu.enqueue_indirect_dma source(%dma_start3A_37 : memref<1000000x64xf32, #tpu.memory_space<hbm>>) target(%dma_start3A_31 : memref<50x64xf32, #tpu.memory_space<vmem>>) offsets(%dma_start3A_34 : memref<50xi32, #tpu.memory_space<vmem>>) semaphore(%arg8 : memref<!tpu.dma_semaphore, #tpu.memory_space<semaphore_mem>>)
    %dma_start3A_38 = arith.constant 3 : i32
    %dma_start3A_39 = arith.constant 3 : i32
    %dma_start3A_40 = arith.constant 0 : i32
    %dma_start3A_41 = arith.constant 0 : i32
    %dma_start3A_42 = tpu.memref_slice %arg6[%dma_start3A_39, %dma_start3A_40, %dma_start3A_41] : memref<16x50x64xf32, #tpu.memory_space<vmem>> -> memref<1x50x64xf32, #tpu.memory_space<vmem>>
    %dma_start3A_43 = tpu.memref_squeeze %dma_start3A_42 : memref<1x50x64xf32, #tpu.memory_space<vmem>> -> memref<50x64xf32, #tpu.memory_space<vmem>>
    %dma_start3A_44 = arith.constant 0 : i32
    %dma_start3A_45 = tpu.memref_slice %arg5[%dma_start3A_38, %dma_start3A_44] : memref<512x50xi32, #tpu.memory_space<vmem>> -> memref<1x50xi32, #tpu.memory_space<vmem>>
    %dma_start3A_46 = tpu.memref_squeeze %dma_start3A_45 : memref<1x50xi32, #tpu.memory_space<vmem>> -> memref<50xi32, #tpu.memory_space<vmem>>
    %dma_start3A_47 = arith.constant 0 : i32
    %dma_start3A_48 = arith.constant 0 : i32
    %dma_start3A_49 = tpu.memref_slice %arg2[%dma_start3A_47, %dma_start3A_48] : memref<1000000x64xf32, #tpu.memory_space<hbm>> -> memref<1000000x64xf32, #tpu.memory_space<hbm>>
    tpu.enqueue_indirect_dma source(%dma_start3A_49 : memref<1000000x64xf32, #tpu.memory_space<hbm>>) target(%dma_start3A_43 : memref<50x64xf32, #tpu.memory_space<vmem>>) offsets(%dma_start3A_46 : memref<50xi32, #tpu.memory_space<vmem>>) semaphore(%arg8 : memref<!tpu.dma_semaphore, #tpu.memory_space<semaphore_mem>>)
    %dma_start3A_50 = arith.constant 4 : i32
    %dma_start3A_51 = arith.constant 4 : i32
    %dma_start3A_52 = arith.constant 0 : i32
    %dma_start3A_53 = arith.constant 0 : i32
    %dma_start3A_54 = tpu.memref_slice %arg6[%dma_start3A_51, %dma_start3A_52, %dma_start3A_53] : memref<16x50x64xf32, #tpu.memory_space<vmem>> -> memref<1x50x64xf32, #tpu.memory_space<vmem>>
    %dma_start3A_55 = tpu.memref_squeeze %dma_start3A_54 : memref<1x50x64xf32, #tpu.memory_space<vmem>> -> memref<50x64xf32, #tpu.memory_space<vmem>>
    %dma_start3A_56 = arith.constant 0 : i32
    %dma_start3A_57 = tpu.memref_slice %arg5[%dma_start3A_50, %dma_start3A_56] : memref<512x50xi32, #tpu.memory_space<vmem>> -> memref<1x50xi32, #tpu.memory_space<vmem>>
    %dma_start3A_58 = tpu.memref_squeeze %dma_start3A_57 : memref<1x50xi32, #tpu.memory_space<vmem>> -> memref<50xi32, #tpu.memory_space<vmem>>
    %dma_start3A_59 = arith.constant 0 : i32
    %dma_start3A_60 = arith.constant 0 : i32
    %dma_start3A_61 = tpu.memref_slice %arg2[%dma_start3A_59, %dma_start3A_60] : memref<1000000x64xf32, #tpu.memory_space<hbm>> -> memref<1000000x64xf32, #tpu.memory_space<hbm>>
    tpu.enqueue_indirect_dma source(%dma_start3A_61 : memref<1000000x64xf32, #tpu.memory_space<hbm>>) target(%dma_start3A_55 : memref<50x64xf32, #tpu.memory_space<vmem>>) offsets(%dma_start3A_58 : memref<50xi32, #tpu.memory_space<vmem>>) semaphore(%arg8 : memref<!tpu.dma_semaphore, #tpu.memory_space<semaphore_mem>>)
    %dma_start3A_62 = arith.constant 5 : i32
    %dma_start3A_63 = arith.constant 5 : i32
    %dma_start3A_64 = arith.constant 0 : i32
    %dma_start3A_65 = arith.constant 0 : i32
    %dma_start3A_66 = tpu.memref_slice %arg6[%dma_start3A_63, %dma_start3A_64, %dma_start3A_65] : memref<16x50x64xf32, #tpu.memory_space<vmem>> -> memref<1x50x64xf32, #tpu.memory_space<vmem>>
    %dma_start3A_67 = tpu.memref_squeeze %dma_start3A_66 : memref<1x50x64xf32, #tpu.memory_space<vmem>> -> memref<50x64xf32, #tpu.memory_space<vmem>>
    %dma_start3A_68 = arith.constant 0 : i32
    %dma_start3A_69 = tpu.memref_slice %arg5[%dma_start3A_62, %dma_start3A_68] : memref<512x50xi32, #tpu.memory_space<vmem>> -> memref<1x50xi32, #tpu.memory_space<vmem>>
    %dma_start3A_70 = tpu.memref_squeeze %dma_start3A_69 : memref<1x50xi32, #tpu.memory_space<vmem>> -> memref<50xi32, #tpu.memory_space<vmem>>
    %dma_start3A_71 = arith.constant 0 : i32
    %dma_start3A_72 = arith.constant 0 : i32
    %dma_start3A_73 = tpu.memref_slice %arg2[%dma_start3A_71, %dma_start3A_72] : memref<1000000x64xf32, #tpu.memory_space<hbm>> -> memref<1000000x64xf32, #tpu.memory_space<hbm>>
    tpu.enqueue_indirect_dma source(%dma_start3A_73 : memref<1000000x64xf32, #tpu.memory_space<hbm>>) target(%dma_start3A_67 : memref<50x64xf32, #tpu.memory_space<vmem>>) offsets(%dma_start3A_70 : memref<50xi32, #tpu.memory_space<vmem>>) semaphore(%arg8 : memref<!tpu.dma_semaphore, #tpu.memory_space<semaphore_mem>>)
    %dma_start3A_74 = arith.constant 6 : i32
    %dma_start3A_75 = arith.constant 6 : i32
    %dma_start3A_76 = arith.constant 0 : i32
    %dma_start3A_77 = arith.constant 0 : i32
    %dma_start3A_78 = tpu.memref_slice %arg6[%dma_start3A_75, %dma_start3A_76, %dma_start3A_77] : memref<16x50x64xf32, #tpu.memory_space<vmem>> -> memref<1x50x64xf32, #tpu.memory_space<vmem>>
    %dma_start3A_79 = tpu.memref_squeeze %dma_start3A_78 : memref<1x50x64xf32, #tpu.memory_space<vmem>> -> memref<50x64xf32, #tpu.memory_space<vmem>>
    %dma_start3A_80 = arith.constant 0 : i32
    %dma_start3A_81 = tpu.memref_slice %arg5[%dma_start3A_74, %dma_start3A_80] : memref<512x50xi32, #tpu.memory_space<vmem>> -> memref<1x50xi32, #tpu.memory_space<vmem>>
    %dma_start3A_82 = tpu.memref_squeeze %dma_start3A_81 : memref<1x50xi32, #tpu.memory_space<vmem>> -> memref<50xi32, #tpu.memory_space<vmem>>
    %dma_start3A_83 = arith.constant 0 : i32
    %dma_start3A_84 = arith.constant 0 : i32
    %dma_start3A_85 = tpu.memref_slice %arg2[%dma_start3A_83, %dma_start3A_84] : memref<1000000x64xf32, #tpu.memory_space<hbm>> -> memref<1000000x64xf32, #tpu.memory_space<hbm>>
    tpu.enqueue_indirect_dma source(%dma_start3A_85 : memref<1000000x64xf32, #tpu.memory_space<hbm>>) target(%dma_start3A_79 : memref<50x64xf32, #tpu.memory_space<vmem>>) offsets(%dma_start3A_82 : memref<50xi32, #tpu.memory_space<vmem>>) semaphore(%arg8 : memref<!tpu.dma_semaphore, #tpu.memory_space<semaphore_mem>>)
    %dma_start3A_86 = arith.constant 7 : i32
    %dma_start3A_87 = arith.constant 7 : i32
    %dma_start3A_88 = arith.constant 0 : i32
    %dma_start3A_89 = arith.constant 0 : i32
    %dma_start3A_90 = tpu.memref_slice %arg6[%dma_start3A_87, %dma_start3A_88, %dma_start3A_89] : memref<16x50x64xf32, #tpu.memory_space<vmem>> -> memref<1x50x64xf32, #tpu.memory_space<vmem>>
    %dma_start3A_91 = tpu.memref_squeeze %dma_start3A_90 : memref<1x50x64xf32, #tpu.memory_space<vmem>> -> memref<50x64xf32, #tpu.memory_space<vmem>>
    %dma_start3A_92 = arith.constant 0 : i32
    %dma_start3A_93 = tpu.memref_slice %arg5[%dma_start3A_86, %dma_start3A_92] : memref<512x50xi32, #tpu.memory_space<vmem>> -> memref<1x50xi32, #tpu.memory_space<vmem>>
    %dma_start3A_94 = tpu.memref_squeeze %dma_start3A_93 : memref<1x50xi32, #tpu.memory_space<vmem>> -> memref<50xi32, #tpu.memory_space<vmem>>
    %dma_start3A_95 = arith.constant 0 : i32
    %dma_start3A_96 = arith.constant 0 : i32
    %dma_start3A_97 = tpu.memref_slice %arg2[%dma_start3A_95, %dma_start3A_96] : memref<1000000x64xf32, #tpu.memory_space<hbm>> -> memref<1000000x64xf32, #tpu.memory_space<hbm>>
    tpu.enqueue_indirect_dma source(%dma_start3A_97 : memref<1000000x64xf32, #tpu.memory_space<hbm>>) target(%dma_start3A_91 : memref<50x64xf32, #tpu.memory_space<vmem>>) offsets(%dma_start3A_94 : memref<50xi32, #tpu.memory_space<vmem>>) semaphore(%arg8 : memref<!tpu.dma_semaphore, #tpu.memory_space<semaphore_mem>>)
    %dma_start3A_98 = arith.constant 8 : i32
    %dma_start3A_99 = arith.constant 8 : i32
    %dma_start3A_100 = arith.constant 0 : i32
    %dma_start3A_101 = arith.constant 0 : i32
    %dma_start3A_102 = tpu.memref_slice %arg6[%dma_start3A_99, %dma_start3A_100, %dma_start3A_101] : memref<16x50x64xf32, #tpu.memory_space<vmem>> -> memref<1x50x64xf32, #tpu.memory_space<vmem>>
    %dma_start3A_103 = tpu.memref_squeeze %dma_start3A_102 : memref<1x50x64xf32, #tpu.memory_space<vmem>> -> memref<50x64xf32, #tpu.memory_space<vmem>>
    %dma_start3A_104 = arith.constant 0 : i32
    %dma_start3A_105 = tpu.memref_slice %arg5[%dma_start3A_98, %dma_start3A_104] : memref<512x50xi32, #tpu.memory_space<vmem>> -> memref<1x50xi32, #tpu.memory_space<vmem>>
    %dma_start3A_106 = tpu.memref_squeeze %dma_start3A_105 : memref<1x50xi32, #tpu.memory_space<vmem>> -> memref<50xi32, #tpu.memory_space<vmem>>
    %dma_start3A_107 = arith.constant 0 : i32
    %dma_start3A_108 = arith.constant 0 : i32
    %dma_start3A_109 = tpu.memref_slice %arg2[%dma_start3A_107, %dma_start3A_108] : memref<1000000x64xf32, #tpu.memory_space<hbm>> -> memref<1000000x64xf32, #tpu.memory_space<hbm>>
    tpu.enqueue_indirect_dma source(%dma_start3A_109 : memref<1000000x64xf32, #tpu.memory_space<hbm>>) target(%dma_start3A_103 : memref<50x64xf32, #tpu.memory_space<vmem>>) offsets(%dma_start3A_106 : memref<50xi32, #tpu.memory_space<vmem>>) semaphore(%arg8 : memref<!tpu.dma_semaphore, #tpu.memory_space<semaphore_mem>>)
    %dma_start3A_110 = arith.constant 9 : i32
    %dma_start3A_111 = arith.constant 9 : i32
    %dma_start3A_112 = arith.constant 0 : i32
    %dma_start3A_113 = arith.constant 0 : i32
    %dma_start3A_114 = tpu.memref_slice %arg6[%dma_start3A_111, %dma_start3A_112, %dma_start3A_113] : memref<16x50x64xf32, #tpu.memory_space<vmem>> -> memref<1x50x64xf32, #tpu.memory_space<vmem>>
    %dma_start3A_115 = tpu.memref_squeeze %dma_start3A_114 : memref<1x50x64xf32, #tpu.memory_space<vmem>> -> memref<50x64xf32, #tpu.memory_space<vmem>>
    %dma_start3A_116 = arith.constant 0 : i32
    %dma_start3A_117 = tpu.memref_slice %arg5[%dma_start3A_110, %dma_start3A_116] : memref<512x50xi32, #tpu.memory_space<vmem>> -> memref<1x50xi32, #tpu.memory_space<vmem>>
    %dma_start3A_118 = tpu.memref_squeeze %dma_start3A_117 : memref<1x50xi32, #tpu.memory_space<vmem>> -> memref<50xi32, #tpu.memory_space<vmem>>
    %dma_start3A_119 = arith.constant 0 : i32
    %dma_start3A_120 = arith.constant 0 : i32
    %dma_start3A_121 = tpu.memref_slice %arg2[%dma_start3A_119, %dma_start3A_120] : memref<1000000x64xf32, #tpu.memory_space<hbm>> -> memref<1000000x64xf32, #tpu.memory_space<hbm>>
    tpu.enqueue_indirect_dma source(%dma_start3A_121 : memref<1000000x64xf32, #tpu.memory_space<hbm>>) target(%dma_start3A_115 : memref<50x64xf32, #tpu.memory_space<vmem>>) offsets(%dma_start3A_118 : memref<50xi32, #tpu.memory_space<vmem>>) semaphore(%arg8 : memref<!tpu.dma_semaphore, #tpu.memory_space<semaphore_mem>>)
    %dma_start3A_122 = arith.constant 10 : i32
    %dma_start3A_123 = arith.constant 10 : i32
    %dma_start3A_124 = arith.constant 0 : i32
    %dma_start3A_125 = arith.constant 0 : i32
    %dma_start3A_126 = tpu.memref_slice %arg6[%dma_start3A_123, %dma_start3A_124, %dma_start3A_125] : memref<16x50x64xf32, #tpu.memory_space<vmem>> -> memref<1x50x64xf32, #tpu.memory_space<vmem>>
    %dma_start3A_127 = tpu.memref_squeeze %dma_start3A_126 : memref<1x50x64xf32, #tpu.memory_space<vmem>> -> memref<50x64xf32, #tpu.memory_space<vmem>>
    %dma_start3A_128 = arith.constant 0 : i32
    %dma_start3A_129 = tpu.memref_slice %arg5[%dma_start3A_122, %dma_start3A_128] : memref<512x50xi32, #tpu.memory_space<vmem>> -> memref<1x50xi32, #tpu.memory_space<vmem>>
    %dma_start3A_130 = tpu.memref_squeeze %dma_start3A_129 : memref<1x50xi32, #tpu.memory_space<vmem>> -> memref<50xi32, #tpu.memory_space<vmem>>
    %dma_start3A_131 = arith.constant 0 : i32
    %dma_start3A_132 = arith.constant 0 : i32
    %dma_start3A_133 = tpu.memref_slice %arg2[%dma_start3A_131, %dma_start3A_132] : memref<1000000x64xf32, #tpu.memory_space<hbm>> -> memref<1000000x64xf32, #tpu.memory_space<hbm>>
    tpu.enqueue_indirect_dma source(%dma_start3A_133 : memref<1000000x64xf32, #tpu.memory_space<hbm>>) target(%dma_start3A_127 : memref<50x64xf32, #tpu.memory_space<vmem>>) offsets(%dma_start3A_130 : memref<50xi32, #tpu.memory_space<vmem>>) semaphore(%arg8 : memref<!tpu.dma_semaphore, #tpu.memory_space<semaphore_mem>>)
    %dma_start3A_134 = arith.constant 11 : i32
    %dma_start3A_135 = arith.constant 11 : i32
    %dma_start3A_136 = arith.constant 0 : i32
    %dma_start3A_137 = arith.constant 0 : i32
    %dma_start3A_138 = tpu.memref_slice %arg6[%dma_start3A_135, %dma_start3A_136, %dma_start3A_137] : memref<16x50x64xf32, #tpu.memory_space<vmem>> -> memref<1x50x64xf32, #tpu.memory_space<vmem>>
    %dma_start3A_139 = tpu.memref_squeeze %dma_start3A_138 : memref<1x50x64xf32, #tpu.memory_space<vmem>> -> memref<50x64xf32, #tpu.memory_space<vmem>>
    %dma_start3A_140 = arith.constant 0 : i32
    %dma_start3A_141 = tpu.memref_slice %arg5[%dma_start3A_134, %dma_start3A_140] : memref<512x50xi32, #tpu.memory_space<vmem>> -> memref<1x50xi32, #tpu.memory_space<vmem>>
    %dma_start3A_142 = tpu.memref_squeeze %dma_start3A_141 : memref<1x50xi32, #tpu.memory_space<vmem>> -> memref<50xi32, #tpu.memory_space<vmem>>
    %dma_start3A_143 = arith.constant 0 : i32
    %dma_start3A_144 = arith.constant 0 : i32
    %dma_start3A_145 = tpu.memref_slice %arg2[%dma_start3A_143, %dma_start3A_144] : memref<1000000x64xf32, #tpu.memory_space<hbm>> -> memref<1000000x64xf32, #tpu.memory_space<hbm>>
    tpu.enqueue_indirect_dma source(%dma_start3A_145 : memref<1000000x64xf32, #tpu.memory_space<hbm>>) target(%dma_start3A_139 : memref<50x64xf32, #tpu.memory_space<vmem>>) offsets(%dma_start3A_142 : memref<50xi32, #tpu.memory_space<vmem>>) semaphore(%arg8 : memref<!tpu.dma_semaphore, #tpu.memory_space<semaphore_mem>>)
    %dma_start3A_146 = arith.constant 12 : i32
    %dma_start3A_147 = arith.constant 12 : i32
    %dma_start3A_148 = arith.constant 0 : i32
    %dma_start3A_149 = arith.constant 0 : i32
    %dma_start3A_150 = tpu.memref_slice %arg6[%dma_start3A_147, %dma_start3A_148, %dma_start3A_149] : memref<16x50x64xf32, #tpu.memory_space<vmem>> -> memref<1x50x64xf32, #tpu.memory_space<vmem>>
    %dma_start3A_151 = tpu.memref_squeeze %dma_start3A_150 : memref<1x50x64xf32, #tpu.memory_space<vmem>> -> memref<50x64xf32, #tpu.memory_space<vmem>>
    %dma_start3A_152 = arith.constant 0 : i32
    %dma_start3A_153 = tpu.memref_slice %arg5[%dma_start3A_146, %dma_start3A_152] : memref<512x50xi32, #tpu.memory_space<vmem>> -> memref<1x50xi32, #tpu.memory_space<vmem>>
    %dma_start3A_154 = tpu.memref_squeeze %dma_start3A_153 : memref<1x50xi32, #tpu.memory_space<vmem>> -> memref<50xi32, #tpu.memory_space<vmem>>
    %dma_start3A_155 = arith.constant 0 : i32
    %dma_start3A_156 = arith.constant 0 : i32
    %dma_start3A_157 = tpu.memref_slice %arg2[%dma_start3A_155, %dma_start3A_156] : memref<1000000x64xf32, #tpu.memory_space<hbm>> -> memref<1000000x64xf32, #tpu.memory_space<hbm>>
    tpu.enqueue_indirect_dma source(%dma_start3A_157 : memref<1000000x64xf32, #tpu.memory_space<hbm>>) target(%dma_start3A_151 : memref<50x64xf32, #tpu.memory_space<vmem>>) offsets(%dma_start3A_154 : memref<50xi32, #tpu.memory_space<vmem>>) semaphore(%arg8 : memref<!tpu.dma_semaphore, #tpu.memory_space<semaphore_mem>>)
    %dma_start3A_158 = arith.constant 13 : i32
    %dma_start3A_159 = arith.constant 13 : i32
    %dma_start3A_160 = arith.constant 0 : i32
    %dma_start3A_161 = arith.constant 0 : i32
    %dma_start3A_162 = tpu.memref_slice %arg6[%dma_start3A_159, %dma_start3A_160, %dma_start3A_161] : memref<16x50x64xf32, #tpu.memory_space<vmem>> -> memref<1x50x64xf32, #tpu.memory_space<vmem>>
    %dma_start3A_163 = tpu.memref_squeeze %dma_start3A_162 : memref<1x50x64xf32, #tpu.memory_space<vmem>> -> memref<50x64xf32, #tpu.memory_space<vmem>>
    %dma_start3A_164 = arith.constant 0 : i32
    %dma_start3A_165 = tpu.memref_slice %arg5[%dma_start3A_158, %dma_start3A_164] : memref<512x50xi32, #tpu.memory_space<vmem>> -> memref<1x50xi32, #tpu.memory_space<vmem>>
    %dma_start3A_166 = tpu.memref_squeeze %dma_start3A_165 : memref<1x50xi32, #tpu.memory_space<vmem>> -> memref<50xi32, #tpu.memory_space<vmem>>
    %dma_start3A_167 = arith.constant 0 : i32
    %dma_start3A_168 = arith.constant 0 : i32
    %dma_start3A_169 = tpu.memref_slice %arg2[%dma_start3A_167, %dma_start3A_168] : memref<1000000x64xf32, #tpu.memory_space<hbm>> -> memref<1000000x64xf32, #tpu.memory_space<hbm>>
    tpu.enqueue_indirect_dma source(%dma_start3A_169 : memref<1000000x64xf32, #tpu.memory_space<hbm>>) target(%dma_start3A_163 : memref<50x64xf32, #tpu.memory_space<vmem>>) offsets(%dma_start3A_166 : memref<50xi32, #tpu.memory_space<vmem>>) semaphore(%arg8 : memref<!tpu.dma_semaphore, #tpu.memory_space<semaphore_mem>>)
    %dma_start3A_170 = arith.constant 14 : i32
    %dma_start3A_171 = arith.constant 14 : i32
    %dma_start3A_172 = arith.constant 0 : i32
    %dma_start3A_173 = arith.constant 0 : i32
    %dma_start3A_174 = tpu.memref_slice %arg6[%dma_start3A_171, %dma_start3A_172, %dma_start3A_173] : memref<16x50x64xf32, #tpu.memory_space<vmem>> -> memref<1x50x64xf32, #tpu.memory_space<vmem>>
    %dma_start3A_175 = tpu.memref_squeeze %dma_start3A_174 : memref<1x50x64xf32, #tpu.memory_space<vmem>> -> memref<50x64xf32, #tpu.memory_space<vmem>>
    %dma_start3A_176 = arith.constant 0 : i32
    %dma_start3A_177 = tpu.memref_slice %arg5[%dma_start3A_170, %dma_start3A_176] : memref<512x50xi32, #tpu.memory_space<vmem>> -> memref<1x50xi32, #tpu.memory_space<vmem>>
    %dma_start3A_178 = tpu.memref_squeeze %dma_start3A_177 : memref<1x50xi32, #tpu.memory_space<vmem>> -> memref<50xi32, #tpu.memory_space<vmem>>
    %dma_start3A_179 = arith.constant 0 : i32
    %dma_start3A_180 = arith.constant 0 : i32
    %dma_start3A_181 = tpu.memref_slice %arg2[%dma_start3A_179, %dma_start3A_180] : memref<1000000x64xf32, #tpu.memory_space<hbm>> -> memref<1000000x64xf32, #tpu.memory_space<hbm>>
    tpu.enqueue_indirect_dma source(%dma_start3A_181 : memref<1000000x64xf32, #tpu.memory_space<hbm>>) target(%dma_start3A_175 : memref<50x64xf32, #tpu.memory_space<vmem>>) offsets(%dma_start3A_178 : memref<50xi32, #tpu.memory_space<vmem>>) semaphore(%arg8 : memref<!tpu.dma_semaphore, #tpu.memory_space<semaphore_mem>>)
    %dma_start3A_182 = arith.constant 15 : i32
    %dma_start3A_183 = arith.constant 15 : i32
    %dma_start3A_184 = arith.constant 0 : i32
    %dma_start3A_185 = arith.constant 0 : i32
    %dma_start3A_186 = tpu.memref_slice %arg6[%dma_start3A_183, %dma_start3A_184, %dma_start3A_185] : memref<16x50x64xf32, #tpu.memory_space<vmem>> -> memref<1x50x64xf32, #tpu.memory_space<vmem>>
    %dma_start3A_187 = tpu.memref_squeeze %dma_start3A_186 : memref<1x50x64xf32, #tpu.memory_space<vmem>> -> memref<50x64xf32, #tpu.memory_space<vmem>>
    %dma_start3A_188 = arith.constant 0 : i32
    %dma_start3A_189 = tpu.memref_slice %arg5[%dma_start3A_182, %dma_start3A_188] : memref<512x50xi32, #tpu.memory_space<vmem>> -> memref<1x50xi32, #tpu.memory_space<vmem>>
    %dma_start3A_190 = tpu.memref_squeeze %dma_start3A_189 : memref<1x50xi32, #tpu.memory_space<vmem>> -> memref<50xi32, #tpu.memory_space<vmem>>
    %dma_start3A_191 = arith.constant 0 : i32
    %dma_start3A_192 = arith.constant 0 : i32
    %dma_start3A_193 = tpu.memref_slice %arg2[%dma_start3A_191, %dma_start3A_192] : memref<1000000x64xf32, #tpu.memory_space<hbm>> -> memref<1000000x64xf32, #tpu.memory_space<hbm>>
    tpu.enqueue_indirect_dma source(%dma_start3A_193 : memref<1000000x64xf32, #tpu.memory_space<hbm>>) target(%dma_start3A_187 : memref<50x64xf32, #tpu.memory_space<vmem>>) offsets(%dma_start3A_190 : memref<50xi32, #tpu.memory_space<vmem>>) semaphore(%arg8 : memref<!tpu.dma_semaphore, #tpu.memory_space<semaphore_mem>>)
    %dma_wait3A = arith.constant 0 : i32
    %dma_wait3A_194 = arith.constant 0 : i32
    %dma_wait3A_195 = tpu.memref_slice %arg4[%mul3A_2, %dma_wait3A, %dma_wait3A_194] : memref<16384x50x64xf32, #tpu.memory_space<hbm>> -> memref<16x50x64xf32, #tpu.memory_space<hbm>>
    %dma_wait3A_196 = arith.constant 0 : i32
    %dma_wait3A_197 = arith.constant 0 : i32
    %dma_wait3A_198 = tpu.memref_slice %arg4[%mul3A_2, %dma_wait3A_196, %dma_wait3A_197] : memref<16384x50x64xf32, #tpu.memory_space<hbm>> -> memref<16x50x64xf32, #tpu.memory_space<hbm>>
    tpu.wait_dma2 semaphore(%arg8 : memref<!tpu.dma_semaphore, #tpu.memory_space<semaphore_mem>>) src(%dma_wait3A_198 : memref<16x50x64xf32, #tpu.memory_space<hbm>>) dst(%arg6 : memref<16x50x64xf32, #tpu.memory_space<vmem>>)
    %add3A_199 = arith.constant 0 : i32
    %add3A_200 = arith.addi %mul3A_2, %add3A_199 : i32
    %dma_start3A_201 = arith.constant 0 : i32
    %dma_start3A_202 = arith.constant 0 : i32
    %dma_start3A_203 = tpu.memref_slice %arg4[%add3A_200, %dma_start3A_201, %dma_start3A_202] : memref<16384x50x64xf32, #tpu.memory_space<hbm>> -> memref<16x50x64xf32, #tpu.memory_space<hbm>>
    %dma_start3A_204 = arith.constant 0 : i32
    %dma_start3A_205 = arith.constant 0 : i32
    %dma_start3A_206 = tpu.memref_slice %arg4[%add3A_200, %dma_start3A_204, %dma_start3A_205] : memref<16384x50x64xf32, #tpu.memory_space<hbm>> -> memref<16x50x64xf32, #tpu.memory_space<hbm>>
    tpu.enqueue_dma source(%arg6 : memref<16x50x64xf32, #tpu.memory_space<vmem>>) target(%dma_start3A_206 : memref<16x50x64xf32, #tpu.memory_space<hbm>>) target_semaphore(%arg10 : memref<!tpu.dma_semaphore, #tpu.memory_space<semaphore_mem>>)
    %dma_start3A_207 = arith.constant 16 : i32
    %dma_start3A_208 = arith.constant 0 : i32
    %dma_start3A_209 = arith.constant 0 : i32
    %dma_start3A_210 = arith.constant 0 : i32
    %dma_start3A_211 = tpu.memref_slice %arg7[%dma_start3A_208, %dma_start3A_209, %dma_start3A_210] : memref<16x50x64xf32, #tpu.memory_space<vmem>> -> memref<1x50x64xf32, #tpu.memory_space<vmem>>
    %dma_start3A_212 = tpu.memref_squeeze %dma_start3A_211 : memref<1x50x64xf32, #tpu.memory_space<vmem>> -> memref<50x64xf32, #tpu.memory_space<vmem>>
    %dma_start3A_213 = arith.constant 0 : i32
    %dma_start3A_214 = tpu.memref_slice %arg5[%dma_start3A_207, %dma_start3A_213] : memref<512x50xi32, #tpu.memory_space<vmem>> -> memref<1x50xi32, #tpu.memory_space<vmem>>
    %dma_start3A_215 = tpu.memref_squeeze %dma_start3A_214 : memref<1x50xi32, #tpu.memory_space<vmem>> -> memref<50xi32, #tpu.memory_space<vmem>>
    %dma_start3A_216 = arith.constant 0 : i32
    %dma_start3A_217 = arith.constant 0 : i32
    %dma_start3A_218 = tpu.memref_slice %arg2[%dma_start3A_216, %dma_start3A_217] : memref<1000000x64xf32, #tpu.memory_space<hbm>> -> memref<1000000x64xf32, #tpu.memory_space<hbm>>
    tpu.enqueue_indirect_dma source(%dma_start3A_218 : memref<1000000x64xf32, #tpu.memory_space<hbm>>) target(%dma_start3A_212 : memref<50x64xf32, #tpu.memory_space<vmem>>) offsets(%dma_start3A_215 : memref<50xi32, #tpu.memory_space<vmem>>) semaphore(%arg9 : memref<!tpu.dma_semaphore, #tpu.memory_space<semaphore_mem>>)
    %dma_start3A_219 = arith.constant 17 : i32
    %dma_start3A_220 = arith.constant 1 : i32
    %dma_start3A_221 = arith.constant 0 : i32
    %dma_start3A_222 = arith.constant 0 : i32
    %dma_start3A_223 = tpu.memref_slice %arg7[%dma_start3A_220, %dma_start3A_221, %dma_start3A_222] : memref<16x50x64xf32, #tpu.memory_space<vmem>> -> memref<1x50x64xf32, #tpu.memory_space<vmem>>
    %dma_start3A_224 = tpu.memref_squeeze %dma_start3A_223 : memref<1x50x64xf32, #tpu.memory_space<vmem>> -> memref<50x64xf32, #tpu.memory_space<vmem>>
    %dma_start3A_225 = arith.constant 0 : i32
    %dma_start3A_226 = tpu.memref_slice %arg5[%dma_start3A_219, %dma_start3A_225] : memref<512x50xi32, #tpu.memory_space<vmem>> -> memref<1x50xi32, #tpu.memory_space<vmem>>
    %dma_start3A_227 = tpu.memref_squeeze %dma_start3A_226 : memref<1x50xi32, #tpu.memory_space<vmem>> -> memref<50xi32, #tpu.memory_space<vmem>>
    %dma_start3A_228 = arith.constant 0 : i32
    %dma_start3A_229 = arith.constant 0 : i32
    %dma_start3A_230 = tpu.memref_slice %arg2[%dma_start3A_228, %dma_start3A_229] : memref<1000000x64xf32, #tpu.memory_space<hbm>> -> memref<1000000x64xf32, #tpu.memory_space<hbm>>
    tpu.enqueue_indirect_dma source(%dma_start3A_230 : memref<1000000x64xf32, #tpu.memory_space<hbm>>) target(%dma_start3A_224 : memref<50x64xf32, #tpu.memory_space<vmem>>) offsets(%dma_start3A_227 : memref<50xi32, #tpu.memory_space<vmem>>) semaphore(%arg9 : memref<!tpu.dma_semaphore, #tpu.memory_space<semaphore_mem>>)
    %dma_start3A_231 = arith.constant 18 : i32
    %dma_start3A_232 = arith.constant 2 : i32
    %dma_start3A_233 = arith.constant 0 : i32
    %dma_start3A_234 = arith.constant 0 : i32
    %dma_start3A_235 = tpu.memref_slice %arg7[%dma_start3A_232, %dma_start3A_233, %dma_start3A_234] : memref<16x50x64xf32, #tpu.memory_space<vmem>> -> memref<1x50x64xf32, #tpu.memory_space<vmem>>
    %dma_start3A_236 = tpu.memref_squeeze %dma_start3A_235 : memref<1x50x64xf32, #tpu.memory_space<vmem>> -> memref<50x64xf32, #tpu.memory_space<vmem>>
    %dma_start3A_237 = arith.constant 0 : i32
    %dma_start3A_238 = tpu.memref_slice %arg5[%dma_start3A_231, %dma_start3A_237] : memref<512x50xi32, #tpu.memory_space<vmem>> -> memref<1x50xi32, #tpu.memory_space<vmem>>
    %dma_start3A_239 = tpu.memref_squeeze %dma_start3A_238 : memref<1x50xi32, #tpu.memory_space<vmem>> -> memref<50xi32, #tpu.memory_space<vmem>>
    %dma_start3A_240 = arith.constant 0 : i32
    %dma_start3A_241 = arith.constant 0 : i32
    %dma_start3A_242 = tpu.memref_slice %arg2[%dma_start3A_240, %dma_start3A_241] : memref<1000000x64xf32, #tpu.memory_space<hbm>> -> memref<1000000x64xf32, #tpu.memory_space<hbm>>
    tpu.enqueue_indirect_dma source(%dma_start3A_242 : memref<1000000x64xf32, #tpu.memory_space<hbm>>) target(%dma_start3A_236 : memref<50x64xf32, #tpu.memory_space<vmem>>) offsets(%dma_start3A_239 : memref<50xi32, #tpu.memory_space<vmem>>) semaphore(%arg9 : memref<!tpu.dma_semaphore, #tpu.memory_space<semaphore_mem>>)
    %dma_start3A_243 = arith.constant 19 : i32
    %dma_start3A_244 = arith.constant 3 : i32
    %dma_start3A_245 = arith.constant 0 : i32
    %dma_start3A_246 = arith.constant 0 : i32
    %dma_start3A_247 = tpu.memref_slice %arg7[%dma_start3A_244, %dma_start3A_245, %dma_start3A_246] : memref<16x50x64xf32, #tpu.memory_space<vmem>> -> memref<1x50x64xf32, #tpu.memory_space<vmem>>
    %dma_start3A_248 = tpu.memref_squeeze %dma_start3A_247 : memref<1x50x64xf32, #tpu.memory_space<vmem>> -> memref<50x64xf32, #tpu.memory_space<vmem>>
    %dma_start3A_249 = arith.constant 0 : i32
    %dma_start3A_250 = tpu.memref_slice %arg5[%dma_start3A_243, %dma_start3A_249] : memref<512x50xi32, #tpu.memory_space<vmem>> -> memref<1x50xi32, #tpu.memory_space<vmem>>
    %dma_start3A_251 = tpu.memref_squeeze %dma_start3A_250 : memref<1x50xi32, #tpu.memory_space<vmem>> -> memref<50xi32, #tpu.memory_space<vmem>>
    %dma_start3A_252 = arith.constant 0 : i32
    %dma_start3A_253 = arith.constant 0 : i32
    %dma_start3A_254 = tpu.memref_slice %arg2[%dma_start3A_252, %dma_start3A_253] : memref<1000000x64xf32, #tpu.memory_space<hbm>> -> memref<1000000x64xf32, #tpu.memory_space<hbm>>
    tpu.enqueue_indirect_dma source(%dma_start3A_254 : memref<1000000x64xf32, #tpu.memory_space<hbm>>) target(%dma_start3A_248 : memref<50x64xf32, #tpu.memory_space<vmem>>) offsets(%dma_start3A_251 : memref<50xi32, #tpu.memory_space<vmem>>) semaphore(%arg9 : memref<!tpu.dma_semaphore, #tpu.memory_space<semaphore_mem>>)
    %dma_start3A_255 = arith.constant 20 : i32
    %dma_start3A_256 = arith.constant 4 : i32
    %dma_start3A_257 = arith.constant 0 : i32
    %dma_start3A_258 = arith.constant 0 : i32
    %dma_start3A_259 = tpu.memref_slice %arg7[%dma_start3A_256, %dma_start3A_257, %dma_start3A_258] : memref<16x50x64xf32, #tpu.memory_space<vmem>> -> memref<1x50x64xf32, #tpu.memory_space<vmem>>
    %dma_start3A_260 = tpu.memref_squeeze %dma_start3A_259 : memref<1x50x64xf32, #tpu.memory_space<vmem>> -> memref<50x64xf32, #tpu.memory_space<vmem>>
    %dma_start3A_261 = arith.constant 0 : i32
    %dma_start3A_262 = tpu.memref_slice %arg5[%dma_start3A_255, %dma_start3A_261] : memref<512x50xi32, #tpu.memory_space<vmem>> -> memref<1x50xi32, #tpu.memory_space<vmem>>
    %dma_start3A_263 = tpu.memref_squeeze %dma_start3A_262 : memref<1x50xi32, #tpu.memory_space<vmem>> -> memref<50xi32, #tpu.memory_space<vmem>>
    %dma_start3A_264 = arith.constant 0 : i32
    %dma_start3A_265 = arith.constant 0 : i32
    %dma_start3A_266 = tpu.memref_slice %arg2[%dma_start3A_264, %dma_start3A_265] : memref<1000000x64xf32, #tpu.memory_space<hbm>> -> memref<1000000x64xf32, #tpu.memory_space<hbm>>
    tpu.enqueue_indirect_dma source(%dma_start3A_266 : memref<1000000x64xf32, #tpu.memory_space<hbm>>) target(%dma_start3A_260 : memref<50x64xf32, #tpu.memory_space<vmem>>) offsets(%dma_start3A_263 : memref<50xi32, #tpu.memory_space<vmem>>) semaphore(%arg9 : memref<!tpu.dma_semaphore, #tpu.memory_space<semaphore_mem>>)
    %dma_start3A_267 = arith.constant 21 : i32
    %dma_start3A_268 = arith.constant 5 : i32
    %dma_start3A_269 = arith.constant 0 : i32
    %dma_start3A_270 = arith.constant 0 : i32
    %dma_start3A_271 = tpu.memref_slice %arg7[%dma_start3A_268, %dma_start3A_269, %dma_start3A_270] : memref<16x50x64xf32, #tpu.memory_space<vmem>> -> memref<1x50x64xf32, #tpu.memory_space<vmem>>
    %dma_start3A_272 = tpu.memref_squeeze %dma_start3A_271 : memref<1x50x64xf32, #tpu.memory_space<vmem>> -> memref<50x64xf32, #tpu.memory_space<vmem>>
    %dma_start3A_273 = arith.constant 0 : i32
    %dma_start3A_274 = tpu.memref_slice %arg5[%dma_start3A_267, %dma_start3A_273] : memref<512x50xi32, #tpu.memory_space<vmem>> -> memref<1x50xi32, #tpu.memory_space<vmem>>
    %dma_start3A_275 = tpu.memref_squeeze %dma_start3A_274 : memref<1x50xi32, #tpu.memory_space<vmem>> -> memref<50xi32, #tpu.memory_space<vmem>>
    %dma_start3A_276 = arith.constant 0 : i32
    %dma_start3A_277 = arith.constant 0 : i32
    %dma_start3A_278 = tpu.memref_slice %arg2[%dma_start3A_276, %dma_start3A_277] : memref<1000000x64xf32, #tpu.memory_space<hbm>> -> memref<1000000x64xf32, #tpu.memory_space<hbm>>
    tpu.enqueue_indirect_dma source(%dma_start3A_278 : memref<1000000x64xf32, #tpu.memory_space<hbm>>) target(%dma_start3A_272 : memref<50x64xf32, #tpu.memory_space<vmem>>) offsets(%dma_start3A_275 : memref<50xi32, #tpu.memory_space<vmem>>) semaphore(%arg9 : memref<!tpu.dma_semaphore, #tpu.memory_space<semaphore_mem>>)
    %dma_start3A_279 = arith.constant 22 : i32
    %dma_start3A_280 = arith.constant 6 : i32
    %dma_start3A_281 = arith.constant 0 : i32
    %dma_start3A_282 = arith.constant 0 : i32
    %dma_start3A_283 = tpu.memref_slice %arg7[%dma_start3A_280, %dma_start3A_281, %dma_start3A_282] : memref<16x50x64xf32, #tpu.memory_space<vmem>> -> memref<1x50x64xf32, #tpu.memory_space<vmem>>
    %dma_start3A_284 = tpu.memref_squeeze %dma_start3A_283 : memref<1x50x64xf32, #tpu.memory_space<vmem>> -> memref<50x64xf32, #tpu.memory_space<vmem>>
    %dma_start3A_285 = arith.constant 0 : i32
    %dma_start3A_286 = tpu.memref_slice %arg5[%dma_start3A_279, %dma_start3A_285] : memref<512x50xi32, #tpu.memory_space<vmem>> -> memref<1x50xi32, #tpu.memory_space<vmem>>
    %dma_start3A_287 = tpu.memref_squeeze %dma_start3A_286 : memref<1x50xi32, #tpu.memory_space<vmem>> -> memref<50xi32, #tpu.memory_space<vmem>>
    %dma_start3A_288 = arith.constant 0 : i32
    %dma_start3A_289 = arith.constant 0 : i32
    %dma_start3A_290 = tpu.memref_slice %arg2[%dma_start3A_288, %dma_start3A_289] : memref<1000000x64xf32, #tpu.memory_space<hbm>> -> memref<1000000x64xf32, #tpu.memory_space<hbm>>
    tpu.enqueue_indirect_dma source(%dma_start3A_290 : memref<1000000x64xf32, #tpu.memory_space<hbm>>) target(%dma_start3A_284 : memref<50x64xf32, #tpu.memory_space<vmem>>) offsets(%dma_start3A_287 : memref<50xi32, #tpu.memory_space<vmem>>) semaphore(%arg9 : memref<!tpu.dma_semaphore, #tpu.memory_space<semaphore_mem>>)
    %dma_start3A_291 = arith.constant 23 : i32
    %dma_start3A_292 = arith.constant 7 : i32
    %dma_start3A_293 = arith.constant 0 : i32
    %dma_start3A_294 = arith.constant 0 : i32
    %dma_start3A_295 = tpu.memref_slice %arg7[%dma_start3A_292, %dma_start3A_293, %dma_start3A_294] : memref<16x50x64xf32, #tpu.memory_space<vmem>> -> memref<1x50x64xf32, #tpu.memory_space<vmem>>
    %dma_start3A_296 = tpu.memref_squeeze %dma_start3A_295 : memref<1x50x64xf32, #tpu.memory_space<vmem>> -> memref<50x64xf32, #tpu.memory_space<vmem>>
    %dma_start3A_297 = arith.constant 0 : i32
    %dma_start3A_298 = tpu.memref_slice %arg5[%dma_start3A_291, %dma_start3A_297] : memref<512x50xi32, #tpu.memory_space<vmem>> -> memref<1x50xi32, #tpu.memory_space<vmem>>
    %dma_start3A_299 = tpu.memref_squeeze %dma_start3A_298 : memref<1x50xi32, #tpu.memory_space<vmem>> -> memref<50xi32, #tpu.memory_space<vmem>>
    %dma_start3A_300 = arith.constant 0 : i32
    %dma_start3A_301 = arith.constant 0 : i32
    %dma_start3A_302 = tpu.memref_slice %arg2[%dma_start3A_300, %dma_start3A_301] : memref<1000000x64xf32, #tpu.memory_space<hbm>> -> memref<1000000x64xf32, #tpu.memory_space<hbm>>
    tpu.enqueue_indirect_dma source(%dma_start3A_302 : memref<1000000x64xf32, #tpu.memory_space<hbm>>) target(%dma_start3A_296 : memref<50x64xf32, #tpu.memory_space<vmem>>) offsets(%dma_start3A_299 : memref<50xi32, #tpu.memory_space<vmem>>) semaphore(%arg9 : memref<!tpu.dma_semaphore, #tpu.memory_space<semaphore_mem>>)
    %dma_start3A_303 = arith.constant 24 : i32
    %dma_start3A_304 = arith.constant 8 : i32
    %dma_start3A_305 = arith.constant 0 : i32
    %dma_start3A_306 = arith.constant 0 : i32
    %dma_start3A_307 = tpu.memref_slice %arg7[%dma_start3A_304, %dma_start3A_305, %dma_start3A_306] : memref<16x50x64xf32, #tpu.memory_space<vmem>> -> memref<1x50x64xf32, #tpu.memory_space<vmem>>
    %dma_start3A_308 = tpu.memref_squeeze %dma_start3A_307 : memref<1x50x64xf32, #tpu.memory_space<vmem>> -> memref<50x64xf32, #tpu.memory_space<vmem>>
    %dma_start3A_309 = arith.constant 0 : i32
    %dma_start3A_310 = tpu.memref_slice %arg5[%dma_start3A_303, %dma_start3A_309] : memref<512x50xi32, #tpu.memory_space<vmem>> -> memref<1x50xi32, #tpu.memory_space<vmem>>
    %dma_start3A_311 = tpu.memref_squeeze %dma_start3A_310 : memref<1x50xi32, #tpu.memory_space<vmem>> -> memref<50xi32, #tpu.memory_space<vmem>>
    %dma_start3A_312 = arith.constant 0 : i32
    %dma_start3A_313 = arith.constant 0 : i32
    %dma_start3A_314 = tpu.memref_slice %arg2[%dma_start3A_312, %dma_start3A_313] : memref<1000000x64xf32, #tpu.memory_space<hbm>> -> memref<1000000x64xf32, #tpu.memory_space<hbm>>
    tpu.enqueue_indirect_dma source(%dma_start3A_314 : memref<1000000x64xf32, #tpu.memory_space<hbm>>) target(%dma_start3A_308 : memref<50x64xf32, #tpu.memory_space<vmem>>) offsets(%dma_start3A_311 : memref<50xi32, #tpu.memory_space<vmem>>) semaphore(%arg9 : memref<!tpu.dma_semaphore, #tpu.memory_space<semaphore_mem>>)
    %dma_start3A_315 = arith.constant 25 : i32
    %dma_start3A_316 = arith.constant 9 : i32
    %dma_start3A_317 = arith.constant 0 : i32
    %dma_start3A_318 = arith.constant 0 : i32
    %dma_start3A_319 = tpu.memref_slice %arg7[%dma_start3A_316, %dma_start3A_317, %dma_start3A_318] : memref<16x50x64xf32, #tpu.memory_space<vmem>> -> memref<1x50x64xf32, #tpu.memory_space<vmem>>
    %dma_start3A_320 = tpu.memref_squeeze %dma_start3A_319 : memref<1x50x64xf32, #tpu.memory_space<vmem>> -> memref<50x64xf32, #tpu.memory_space<vmem>>
    %dma_start3A_321 = arith.constant 0 : i32
    %dma_start3A_322 = tpu.memref_slice %arg5[%dma_start3A_315, %dma_start3A_321] : memref<512x50xi32, #tpu.memory_space<vmem>> -> memref<1x50xi32, #tpu.memory_space<vmem>>
    %dma_start3A_323 = tpu.memref_squeeze %dma_start3A_322 : memref<1x50xi32, #tpu.memory_space<vmem>> -> memref<50xi32, #tpu.memory_space<vmem>>
    %dma_start3A_324 = arith.constant 0 : i32
    %dma_start3A_325 = arith.constant 0 : i32
    %dma_start3A_326 = tpu.memref_slice %arg2[%dma_start3A_324, %dma_start3A_325] : memref<1000000x64xf32, #tpu.memory_space<hbm>> -> memref<1000000x64xf32, #tpu.memory_space<hbm>>
    tpu.enqueue_indirect_dma source(%dma_start3A_326 : memref<1000000x64xf32, #tpu.memory_space<hbm>>) target(%dma_start3A_320 : memref<50x64xf32, #tpu.memory_space<vmem>>) offsets(%dma_start3A_323 : memref<50xi32, #tpu.memory_space<vmem>>) semaphore(%arg9 : memref<!tpu.dma_semaphore, #tpu.memory_space<semaphore_mem>>)
    %dma_start3A_327 = arith.constant 26 : i32
    %dma_start3A_328 = arith.constant 10 : i32
    %dma_start3A_329 = arith.constant 0 : i32
    %dma_start3A_330 = arith.constant 0 : i32
    %dma_start3A_331 = tpu.memref_slice %arg7[%dma_start3A_328, %dma_start3A_329, %dma_start3A_330] : memref<16x50x64xf32, #tpu.memory_space<vmem>> -> memref<1x50x64xf32, #tpu.memory_space<vmem>>
    %dma_start3A_332 = tpu.memref_squeeze %dma_start3A_331 : memref<1x50x64xf32, #tpu.memory_space<vmem>> -> memref<50x64xf32, #tpu.memory_space<vmem>>
    %dma_start3A_333 = arith.constant 0 : i32
    %dma_start3A_334 = tpu.memref_slice %arg5[%dma_start3A_327, %dma_start3A_333] : memref<512x50xi32, #tpu.memory_space<vmem>> -> memref<1x50xi32, #tpu.memory_space<vmem>>
    %dma_start3A_335 = tpu.memref_squeeze %dma_start3A_334 : memref<1x50xi32, #tpu.memory_space<vmem>> -> memref<50xi32, #tpu.memory_space<vmem>>
    %dma_start3A_336 = arith.constant 0 : i32
    %dma_start3A_337 = arith.constant 0 : i32
    %dma_start3A_338 = tpu.memref_slice %arg2[%dma_start3A_336, %dma_start3A_337] : memref<1000000x64xf32, #tpu.memory_space<hbm>> -> memref<1000000x64xf32, #tpu.memory_space<hbm>>
    tpu.enqueue_indirect_dma source(%dma_start3A_338 : memref<1000000x64xf32, #tpu.memory_space<hbm>>) target(%dma_start3A_332 : memref<50x64xf32, #tpu.memory_space<vmem>>) offsets(%dma_start3A_335 : memref<50xi32, #tpu.memory_space<vmem>>) semaphore(%arg9 : memref<!tpu.dma_semaphore, #tpu.memory_space<semaphore_mem>>)
    %dma_start3A_339 = arith.constant 27 : i32
    %dma_start3A_340 = arith.constant 11 : i32
    %dma_start3A_341 = arith.constant 0 : i32
    %dma_start3A_342 = arith.constant 0 : i32
    %dma_start3A_343 = tpu.memref_slice %arg7[%dma_start3A_340, %dma_start3A_341, %dma_start3A_342] : memref<16x50x64xf32, #tpu.memory_space<vmem>> -> memref<1x50x64xf32, #tpu.memory_space<vmem>>
    %dma_start3A_344 = tpu.memref_squeeze %dma_start3A_343 : memref<1x50x64xf32, #tpu.memory_space<vmem>> -> memref<50x64xf32, #tpu.memory_space<vmem>>
    %dma_start3A_345 = arith.constant 0 : i32
    %dma_start3A_346 = tpu.memref_slice %arg5[%dma_start3A_339, %dma_start3A_345] : memref<512x50xi32, #tpu.memory_space<vmem>> -> memref<1x50xi32, #tpu.memory_space<vmem>>
    %dma_start3A_347 = tpu.memref_squeeze %dma_start3A_346 : memref<1x50xi32, #tpu.memory_space<vmem>> -> memref<50xi32, #tpu.memory_space<vmem>>
    %dma_start3A_348 = arith.constant 0 : i32
    %dma_start3A_349 = arith.constant 0 : i32
    %dma_start3A_350 = tpu.memref_slice %arg2[%dma_start3A_348, %dma_start3A_349] : memref<1000000x64xf32, #tpu.memory_space<hbm>> -> memref<1000000x64xf32, #tpu.memory_space<hbm>>
    tpu.enqueue_indirect_dma source(%dma_start3A_350 : memref<1000000x64xf32, #tpu.memory_space<hbm>>) target(%dma_start3A_344 : memref<50x64xf32, #tpu.memory_space<vmem>>) offsets(%dma_start3A_347 : memref<50xi32, #tpu.memory_space<vmem>>) semaphore(%arg9 : memref<!tpu.dma_semaphore, #tpu.memory_space<semaphore_mem>>)
    %dma_start3A_351 = arith.constant 28 : i32
    %dma_start3A_352 = arith.constant 12 : i32
    %dma_start3A_353 = arith.constant 0 : i32
    %dma_start3A_354 = arith.constant 0 : i32
    %dma_start3A_355 = tpu.memref_slice %arg7[%dma_start3A_352, %dma_start3A_353, %dma_start3A_354] : memref<16x50x64xf32, #tpu.memory_space<vmem>> -> memref<1x50x64xf32, #tpu.memory_space<vmem>>
    %dma_start3A_356 = tpu.memref_squeeze %dma_start3A_355 : memref<1x50x64xf32, #tpu.memory_space<vmem>> -> memref<50x64xf32, #tpu.memory_space<vmem>>
    %dma_start3A_357 = arith.constant 0 : i32
    %dma_start3A_358 = tpu.memref_slice %arg5[%dma_start3A_351, %dma_start3A_357] : memref<512x50xi32, #tpu.memory_space<vmem>> -> memref<1x50xi32, #tpu.memory_space<vmem>>
    %dma_start3A_359 = tpu.memref_squeeze %dma_start3A_358 : memref<1x50xi32, #tpu.memory_space<vmem>> -> memref<50xi32, #tpu.memory_space<vmem>>
    %dma_start3A_360 = arith.constant 0 : i32
    %dma_start3A_361 = arith.constant 0 : i32
    %dma_start3A_362 = tpu.memref_slice %arg2[%dma_start3A_360, %dma_start3A_361] : memref<1000000x64xf32, #tpu.memory_space<hbm>> -> memref<1000000x64xf32, #tpu.memory_space<hbm>>
    tpu.enqueue_indirect_dma source(%dma_start3A_362 : memref<1000000x64xf32, #tpu.memory_space<hbm>>) target(%dma_start3A_356 : memref<50x64xf32, #tpu.memory_space<vmem>>) offsets(%dma_start3A_359 : memref<50xi32, #tpu.memory_space<vmem>>) semaphore(%arg9 : memref<!tpu.dma_semaphore, #tpu.memory_space<semaphore_mem>>)
    %dma_start3A_363 = arith.constant 29 : i32
    %dma_start3A_364 = arith.constant 13 : i32
    %dma_start3A_365 = arith.constant 0 : i32
    %dma_start3A_366 = arith.constant 0 : i32
    %dma_start3A_367 = tpu.memref_slice %arg7[%dma_start3A_364, %dma_start3A_365, %dma_start3A_366] : memref<16x50x64xf32, #tpu.memory_space<vmem>> -> memref<1x50x64xf32, #tpu.memory_space<vmem>>
    %dma_start3A_368 = tpu.memref_squeeze %dma_start3A_367 : memref<1x50x64xf32, #tpu.memory_space<vmem>> -> memref<50x64xf32, #tpu.memory_space<vmem>>
    %dma_start3A_369 = arith.constant 0 : i32
    %dma_start3A_370 = tpu.memref_slice %arg5[%dma_start3A_363, %dma_start3A_369] : memref<512x50xi32, #tpu.memory_space<vmem>> -> memref<1x50xi32, #tpu.memory_space<vmem>>
    %dma_start3A_371 = tpu.memref_squeeze %dma_start3A_370 : memref<1x50xi32, #tpu.memory_space<vmem>> -> memref<50xi32, #tpu.memory_space<vmem>>
    %dma_start3A_372 = arith.constant 0 : i32
    %dma_start3A_373 = arith.constant 0 : i32
    %dma_start3A_374 = tpu.memref_slice %arg2[%dma_start3A_372, %dma_start3A_373] : memref<1000000x64xf32, #tpu.memory_space<hbm>> -> memref<1000000x64xf32, #tpu.memory_space<hbm>>
    tpu.enqueue_indirect_dma source(%dma_start3A_374 : memref<1000000x64xf32, #tpu.memory_space<hbm>>) target(%dma_start3A_368 : memref<50x64xf32, #tpu.memory_space<vmem>>) offsets(%dma_start3A_371 : memref<50xi32, #tpu.memory_space<vmem>>) semaphore(%arg9 : memref<!tpu.dma_semaphore, #tpu.memory_space<semaphore_mem>>)
    %dma_start3A_375 = arith.constant 30 : i32
    %dma_start3A_376 = arith.constant 14 : i32
    %dma_start3A_377 = arith.constant 0 : i32
    %dma_start3A_378 = arith.constant 0 : i32
    %dma_start3A_379 = tpu.memref_slice %arg7[%dma_start3A_376, %dma_start3A_377, %dma_start3A_378] : memref<16x50x64xf32, #tpu.memory_space<vmem>> -> memref<1x50x64xf32, #tpu.memory_space<vmem>>
    %dma_start3A_380 = tpu.memref_squeeze %dma_start3A_379 : memref<1x50x64xf32, #tpu.memory_space<vmem>> -> memref<50x64xf32, #tpu.memory_space<vmem>>
    %dma_start3A_381 = arith.constant 0 : i32
    %dma_start3A_382 = tpu.memref_slice %arg5[%dma_start3A_375, %dma_start3A_381] : memref<512x50xi32, #tpu.memory_space<vmem>> -> memref<1x50xi32, #tpu.memory_space<vmem>>
    %dma_start3A_383 = tpu.memref_squeeze %dma_start3A_382 : memref<1x50xi32, #tpu.memory_space<vmem>> -> memref<50xi32, #tpu.memory_space<vmem>>
    %dma_start3A_384 = arith.constant 0 : i32
    %dma_start3A_385 = arith.constant 0 : i32
    %dma_start3A_386 = tpu.memref_slice %arg2[%dma_start3A_384, %dma_start3A_385] : memref<1000000x64xf32, #tpu.memory_space<hbm>> -> memref<1000000x64xf32, #tpu.memory_space<hbm>>
    tpu.enqueue_indirect_dma source(%dma_start3A_386 : memref<1000000x64xf32, #tpu.memory_space<hbm>>) target(%dma_start3A_380 : memref<50x64xf32, #tpu.memory_space<vmem>>) offsets(%dma_start3A_383 : memref<50xi32, #tpu.memory_space<vmem>>) semaphore(%arg9 : memref<!tpu.dma_semaphore, #tpu.memory_space<semaphore_mem>>)
    %dma_start3A_387 = arith.constant 31 : i32
    %dma_start3A_388 = arith.constant 15 : i32
    %dma_start3A_389 = arith.constant 0 : i32
    %dma_start3A_390 = arith.constant 0 : i32
    %dma_start3A_391 = tpu.memref_slice %arg7[%dma_start3A_388, %dma_start3A_389, %dma_start3A_390] : memref<16x50x64xf32, #tpu.memory_space<vmem>> -> memref<1x50x64xf32, #tpu.memory_space<vmem>>
    %dma_start3A_392 = tpu.memref_squeeze %dma_start3A_391 : memref<1x50x64xf32, #tpu.memory_space<vmem>> -> memref<50x64xf32, #tpu.memory_space<vmem>>
    %dma_start3A_393 = arith.constant 0 : i32
    %dma_start3A_394 = tpu.memref_slice %arg5[%dma_start3A_387, %dma_start3A_393] : memref<512x50xi32, #tpu.memory_space<vmem>> -> memref<1x50xi32, #tpu.memory_space<vmem>>
    %dma_start3A_395 = tpu.memref_squeeze %dma_start3A_394 : memref<1x50xi32, #tpu.memory_space<vmem>> -> memref<50xi32, #tpu.memory_space<vmem>>
    %dma_start3A_396 = arith.constant 0 : i32
    %dma_start3A_397 = arith.constant 0 : i32
    %dma_start3A_398 = tpu.memref_slice %arg2[%dma_start3A_396, %dma_start3A_397] : memref<1000000x64xf32, #tpu.memory_space<hbm>> -> memref<1000000x64xf32, #tpu.memory_space<hbm>>
    tpu.enqueue_indirect_dma source(%dma_start3A_398 : memref<1000000x64xf32, #tpu.memory_space<hbm>>) target(%dma_start3A_392 : memref<50x64xf32, #tpu.memory_space<vmem>>) offsets(%dma_start3A_395 : memref<50xi32, #tpu.memory_space<vmem>>) semaphore(%arg9 : memref<!tpu.dma_semaphore, #tpu.memory_space<semaphore_mem>>)
    %scan3A = arith.constant 0 : i32
    %scan3A_399 = arith.constant 0 : i32
    %scan3A_400 = arith.constant 15 : i32
    %scan3A_401 = arith.addi %scan3A_399, %scan3A_400 : i32
    %scan3A_402 = arith.constant 1 : i32
    %scan3A_403 = scf.for %scan3A_431 = %scan3A_399 to %scan3A_401 step %scan3A_402 iter_args(%scan3A_432 = %scan3A) -> (i32)  : i32 {
      %mul3A_433 = arith.constant 2 : i32
      %mul3A_434 = arith.muli %scan3A_431, %mul3A_433 : i32
      %add3A_435 = arith.constant 1 : i32
      %add3A_436 = arith.addi %add3A_435, %mul3A_434 : i32
      %dma_wait3A_437 = arith.constant 0 : i32
      %dma_wait3A_438 = arith.constant 0 : i32
      %dma_wait3A_439 = tpu.memref_slice %arg4[%mul3A_2, %dma_wait3A_437, %dma_wait3A_438] : memref<16384x50x64xf32, #tpu.memory_space<hbm>> -> memref<16x50x64xf32, #tpu.memory_space<hbm>>
      %dma_wait3A_440 = arith.constant 0 : i32
      %dma_wait3A_441 = arith.constant 0 : i32
      %dma_wait3A_442 = tpu.memref_slice %arg4[%mul3A_2, %dma_wait3A_440, %dma_wait3A_441] : memref<16384x50x64xf32, #tpu.memory_space<hbm>> -> memref<16x50x64xf32, #tpu.memory_space<hbm>>
      tpu.wait_dma2 semaphore(%arg9 : memref<!tpu.dma_semaphore, #tpu.memory_space<semaphore_mem>>) src(%dma_wait3A_442 : memref<16x50x64xf32, #tpu.memory_space<hbm>>) dst(%arg7 : memref<16x50x64xf32, #tpu.memory_space<vmem>>)
      %add3A_443 = arith.constant 0 : i32
      %add3A_444 = arith.addi %add3A_436, %add3A_443 : i32
      %mul3A_445 = arith.constant 16 : i32
      %mul3A_446 = arith.muli %add3A_444, %mul3A_445 : i32
      %add3A_447 = arith.addi %mul3A_2, %mul3A_446 : i32
      %dma_start3A_448 = arith.constant 0 : i32
      %dma_start3A_449 = arith.constant 0 : i32
      %dma_start3A_450 = tpu.memref_slice %arg4[%add3A_447, %dma_start3A_448, %dma_start3A_449] : memref<16384x50x64xf32, #tpu.memory_space<hbm>> -> memref<16x50x64xf32, #tpu.memory_space<hbm>>
      %dma_start3A_451 = arith.constant 0 : i32
      %dma_start3A_452 = arith.constant 0 : i32
      %dma_start3A_453 = tpu.memref_slice %arg4[%add3A_447, %dma_start3A_451, %dma_start3A_452] : memref<16384x50x64xf32, #tpu.memory_space<hbm>> -> memref<16x50x64xf32, #tpu.memory_space<hbm>>
      tpu.enqueue_dma source(%arg7 : memref<16x50x64xf32, #tpu.memory_space<vmem>>) target(%dma_start3A_453 : memref<16x50x64xf32, #tpu.memory_space<hbm>>) target_semaphore(%arg11 : memref<!tpu.dma_semaphore, #tpu.memory_space<semaphore_mem>>)
      %dma_wait3A_454 = arith.constant 0 : i32
      %dma_wait3A_455 = arith.constant 0 : i32
      %dma_wait3A_456 = tpu.memref_slice %arg4[%mul3A_2, %dma_wait3A_454, %dma_wait3A_455] : memref<16384x50x64xf32, #tpu.memory_space<hbm>> -> memref<16x50x64xf32, #tpu.memory_space<hbm>>
      %dma_wait3A_457 = arith.constant 0 : i32
      %dma_wait3A_458 = arith.constant 0 : i32
      %dma_wait3A_459 = tpu.memref_slice %arg4[%mul3A_2, %dma_wait3A_457, %dma_wait3A_458] : memref<16384x50x64xf32, #tpu.memory_space<hbm>> -> memref<16x50x64xf32, #tpu.memory_space<hbm>>
      tpu.wait_dma2 semaphore(%arg10 : memref<!tpu.dma_semaphore, #tpu.memory_space<semaphore_mem>>) src(%arg6 : memref<16x50x64xf32, #tpu.memory_space<vmem>>) dst(%dma_wait3A_459 : memref<16x50x64xf32, #tpu.memory_space<hbm>>)
      %add3A_460 = arith.constant 0 : i32
      %add3A_461 = arith.addi %add3A_436, %add3A_460 : i32
      %add3A_462 = arith.constant 1 : i32
      %add3A_463 = arith.addi %add3A_461, %add3A_462 : i32
      %mul3A_464 = arith.constant 16 : i32
      %mul3A_465 = arith.muli %add3A_463, %mul3A_464 : i32
      %add3A_466 = arith.constant 0 : i32
      %add3A_467 = arith.addi %mul3A_465, %add3A_466 : i32
      %dma_start3A_468 = arith.constant 0 : i32
      %dma_start3A_469 = arith.constant 0 : i32
      %dma_start3A_470 = arith.constant 0 : i32
      %dma_start3A_471 = tpu.memref_slice %arg6[%dma_start3A_468, %dma_start3A_469, %dma_start3A_470] : memref<16x50x64xf32, #tpu.memory_space<vmem>> -> memref<1x50x64xf32, #tpu.memory_space<vmem>>
      %dma_start3A_472 = tpu.memref_squeeze %dma_start3A_471 : memref<1x50x64xf32, #tpu.memory_space<vmem>> -> memref<50x64xf32, #tpu.memory_space<vmem>>
      %dma_start3A_473 = arith.constant 0 : i32
      %dma_start3A_474 = tpu.memref_slice %arg5[%add3A_467, %dma_start3A_473] : memref<512x50xi32, #tpu.memory_space<vmem>> -> memref<1x50xi32, #tpu.memory_space<vmem>>
      %dma_start3A_475 = tpu.memref_squeeze %dma_start3A_474 : memref<1x50xi32, #tpu.memory_space<vmem>> -> memref<50xi32, #tpu.memory_space<vmem>>
      %dma_start3A_476 = arith.constant 0 : i32
      %dma_start3A_477 = arith.constant 0 : i32
      %dma_start3A_478 = tpu.memref_slice %arg2[%dma_start3A_476, %dma_start3A_477] : memref<1000000x64xf32, #tpu.memory_space<hbm>> -> memref<1000000x64xf32, #tpu.memory_space<hbm>>
      tpu.enqueue_indirect_dma source(%dma_start3A_478 : memref<1000000x64xf32, #tpu.memory_space<hbm>>) target(%dma_start3A_472 : memref<50x64xf32, #tpu.memory_space<vmem>>) offsets(%dma_start3A_475 : memref<50xi32, #tpu.memory_space<vmem>>) semaphore(%arg8 : memref<!tpu.dma_semaphore, #tpu.memory_space<semaphore_mem>>)
      %mul3A_479 = arith.constant 16 : i32
      %mul3A_480 = arith.muli %add3A_463, %mul3A_479 : i32
      %add3A_481 = arith.constant 1 : i32
      %add3A_482 = arith.addi %mul3A_480, %add3A_481 : i32
      %dma_start3A_483 = arith.constant 1 : i32
      %dma_start3A_484 = arith.constant 0 : i32
      %dma_start3A_485 = arith.constant 0 : i32
      %dma_start3A_486 = tpu.memref_slice %arg6[%dma_start3A_483, %dma_start3A_484, %dma_start3A_485] : memref<16x50x64xf32, #tpu.memory_space<vmem>> -> memref<1x50x64xf32, #tpu.memory_space<vmem>>
      %dma_start3A_487 = tpu.memref_squeeze %dma_start3A_486 : memref<1x50x64xf32, #tpu.memory_space<vmem>> -> memref<50x64xf32, #tpu.memory_space<vmem>>
      %dma_start3A_488 = arith.constant 0 : i32
      %dma_start3A_489 = tpu.memref_slice %arg5[%add3A_482, %dma_start3A_488] : memref<512x50xi32, #tpu.memory_space<vmem>> -> memref<1x50xi32, #tpu.memory_space<vmem>>
      %dma_start3A_490 = tpu.memref_squeeze %dma_start3A_489 : memref<1x50xi32, #tpu.memory_space<vmem>> -> memref<50xi32, #tpu.memory_space<vmem>>
      %dma_start3A_491 = arith.constant 0 : i32
      %dma_start3A_492 = arith.constant 0 : i32
      %dma_start3A_493 = tpu.memref_slice %arg2[%dma_start3A_491, %dma_start3A_492] : memref<1000000x64xf32, #tpu.memory_space<hbm>> -> memref<1000000x64xf32, #tpu.memory_space<hbm>>
      tpu.enqueue_indirect_dma source(%dma_start3A_493 : memref<1000000x64xf32, #tpu.memory_space<hbm>>) target(%dma_start3A_487 : memref<50x64xf32, #tpu.memory_space<vmem>>) offsets(%dma_start3A_490 : memref<50xi32, #tpu.memory_space<vmem>>) semaphore(%arg8 : memref<!tpu.dma_semaphore, #tpu.memory_space<semaphore_mem>>)
      %mul3A_494 = arith.constant 16 : i32
      %mul3A_495 = arith.muli %add3A_463, %mul3A_494 : i32
      %add3A_496 = arith.constant 2 : i32
      %add3A_497 = arith.addi %mul3A_495, %add3A_496 : i32
      %dma_start3A_498 = arith.constant 2 : i32
      %dma_start3A_499 = arith.constant 0 : i32
      %dma_start3A_500 = arith.constant 0 : i32
      %dma_start3A_501 = tpu.memref_slice %arg6[%dma_start3A_498, %dma_start3A_499, %dma_start3A_500] : memref<16x50x64xf32, #tpu.memory_space<vmem>> -> memref<1x50x64xf32, #tpu.memory_space<vmem>>
      %dma_start3A_502 = tpu.memref_squeeze %dma_start3A_501 : memref<1x50x64xf32, #tpu.memory_space<vmem>> -> memref<50x64xf32, #tpu.memory_space<vmem>>
      %dma_start3A_503 = arith.constant 0 : i32
      %dma_start3A_504 = tpu.memref_slice %arg5[%add3A_497, %dma_start3A_503] : memref<512x50xi32, #tpu.memory_space<vmem>> -> memref<1x50xi32, #tpu.memory_space<vmem>>
      %dma_start3A_505 = tpu.memref_squeeze %dma_start3A_504 : memref<1x50xi32, #tpu.memory_space<vmem>> -> memref<50xi32, #tpu.memory_space<vmem>>
      %dma_start3A_506 = arith.constant 0 : i32
      %dma_start3A_507 = arith.constant 0 : i32
      %dma_start3A_508 = tpu.memref_slice %arg2[%dma_start3A_506, %dma_start3A_507] : memref<1000000x64xf32, #tpu.memory_space<hbm>> -> memref<1000000x64xf32, #tpu.memory_space<hbm>>
      tpu.enqueue_indirect_dma source(%dma_start3A_508 : memref<1000000x64xf32, #tpu.memory_space<hbm>>) target(%dma_start3A_502 : memref<50x64xf32, #tpu.memory_space<vmem>>) offsets(%dma_start3A_505 : memref<50xi32, #tpu.memory_space<vmem>>) semaphore(%arg8 : memref<!tpu.dma_semaphore, #tpu.memory_space<semaphore_mem>>)
      %mul3A_509 = arith.constant 16 : i32
      %mul3A_510 = arith.muli %add3A_463, %mul3A_509 : i32
      %add3A_511 = arith.constant 3 : i32
      %add3A_512 = arith.addi %mul3A_510, %add3A_511 : i32
      %dma_start3A_513 = arith.constant 3 : i32
      %dma_start3A_514 = arith.constant 0 : i32
      %dma_start3A_515 = arith.constant 0 : i32
      %dma_start3A_516 = tpu.memref_slice %arg6[%dma_start3A_513, %dma_start3A_514, %dma_start3A_515] : memref<16x50x64xf32, #tpu.memory_space<vmem>> -> memref<1x50x64xf32, #tpu.memory_space<vmem>>
      %dma_start3A_517 = tpu.memref_squeeze %dma_start3A_516 : memref<1x50x64xf32, #tpu.memory_space<vmem>> -> memref<50x64xf32, #tpu.memory_space<vmem>>
      %dma_start3A_518 = arith.constant 0 : i32
      %dma_start3A_519 = tpu.memref_slice %arg5[%add3A_512, %dma_start3A_518] : memref<512x50xi32, #tpu.memory_space<vmem>> -> memref<1x50xi32, #tpu.memory_space<vmem>>
      %dma_start3A_520 = tpu.memref_squeeze %dma_start3A_519 : memref<1x50xi32, #tpu.memory_space<vmem>> -> memref<50xi32, #tpu.memory_space<vmem>>
      %dma_start3A_521 = arith.constant 0 : i32
      %dma_start3A_522 = arith.constant 0 : i32
      %dma_start3A_523 = tpu.memref_slice %arg2[%dma_start3A_521, %dma_start3A_522] : memref<1000000x64xf32, #tpu.memory_space<hbm>> -> memref<1000000x64xf32, #tpu.memory_space<hbm>>
      tpu.enqueue_indirect_dma source(%dma_start3A_523 : memref<1000000x64xf32, #tpu.memory_space<hbm>>) target(%dma_start3A_517 : memref<50x64xf32, #tpu.memory_space<vmem>>) offsets(%dma_start3A_520 : memref<50xi32, #tpu.memory_space<vmem>>) semaphore(%arg8 : memref<!tpu.dma_semaphore, #tpu.memory_space<semaphore_mem>>)
      %mul3A_524 = arith.constant 16 : i32
      %mul3A_525 = arith.muli %add3A_463, %mul3A_524 : i32
      %add3A_526 = arith.constant 4 : i32
      %add3A_527 = arith.addi %mul3A_525, %add3A_526 : i32
      %dma_start3A_528 = arith.constant 4 : i32
      %dma_start3A_529 = arith.constant 0 : i32
      %dma_start3A_530 = arith.constant 0 : i32
      %dma_start3A_531 = tpu.memref_slice %arg6[%dma_start3A_528, %dma_start3A_529, %dma_start3A_530] : memref<16x50x64xf32, #tpu.memory_space<vmem>> -> memref<1x50x64xf32, #tpu.memory_space<vmem>>
      %dma_start3A_532 = tpu.memref_squeeze %dma_start3A_531 : memref<1x50x64xf32, #tpu.memory_space<vmem>> -> memref<50x64xf32, #tpu.memory_space<vmem>>
      %dma_start3A_533 = arith.constant 0 : i32
      %dma_start3A_534 = tpu.memref_slice %arg5[%add3A_527, %dma_start3A_533] : memref<512x50xi32, #tpu.memory_space<vmem>> -> memref<1x50xi32, #tpu.memory_space<vmem>>
      %dma_start3A_535 = tpu.memref_squeeze %dma_start3A_534 : memref<1x50xi32, #tpu.memory_space<vmem>> -> memref<50xi32, #tpu.memory_space<vmem>>
      %dma_start3A_536 = arith.constant 0 : i32
      %dma_start3A_537 = arith.constant 0 : i32
      %dma_start3A_538 = tpu.memref_slice %arg2[%dma_start3A_536, %dma_start3A_537] : memref<1000000x64xf32, #tpu.memory_space<hbm>> -> memref<1000000x64xf32, #tpu.memory_space<hbm>>
      tpu.enqueue_indirect_dma source(%dma_start3A_538 : memref<1000000x64xf32, #tpu.memory_space<hbm>>) target(%dma_start3A_532 : memref<50x64xf32, #tpu.memory_space<vmem>>) offsets(%dma_start3A_535 : memref<50xi32, #tpu.memory_space<vmem>>) semaphore(%arg8 : memref<!tpu.dma_semaphore, #tpu.memory_space<semaphore_mem>>)
      %mul3A_539 = arith.constant 16 : i32
      %mul3A_540 = arith.muli %add3A_463, %mul3A_539 : i32
      %add3A_541 = arith.constant 5 : i32
      %add3A_542 = arith.addi %mul3A_540, %add3A_541 : i32
      %dma_start3A_543 = arith.constant 5 : i32
      %dma_start3A_544 = arith.constant 0 : i32
      %dma_start3A_545 = arith.constant 0 : i32
      %dma_start3A_546 = tpu.memref_slice %arg6[%dma_start3A_543, %dma_start3A_544, %dma_start3A_545] : memref<16x50x64xf32, #tpu.memory_space<vmem>> -> memref<1x50x64xf32, #tpu.memory_space<vmem>>
      %dma_start3A_547 = tpu.memref_squeeze %dma_start3A_546 : memref<1x50x64xf32, #tpu.memory_space<vmem>> -> memref<50x64xf32, #tpu.memory_space<vmem>>
      %dma_start3A_548 = arith.constant 0 : i32
      %dma_start3A_549 = tpu.memref_slice %arg5[%add3A_542, %dma_start3A_548] : memref<512x50xi32, #tpu.memory_space<vmem>> -> memref<1x50xi32, #tpu.memory_space<vmem>>
      %dma_start3A_550 = tpu.memref_squeeze %dma_start3A_549 : memref<1x50xi32, #tpu.memory_space<vmem>> -> memref<50xi32, #tpu.memory_space<vmem>>
      %dma_start3A_551 = arith.constant 0 : i32
      %dma_start3A_552 = arith.constant 0 : i32
      %dma_start3A_553 = tpu.memref_slice %arg2[%dma_start3A_551, %dma_start3A_552] : memref<1000000x64xf32, #tpu.memory_space<hbm>> -> memref<1000000x64xf32, #tpu.memory_space<hbm>>
      tpu.enqueue_indirect_dma source(%dma_start3A_553 : memref<1000000x64xf32, #tpu.memory_space<hbm>>) target(%dma_start3A_547 : memref<50x64xf32, #tpu.memory_space<vmem>>) offsets(%dma_start3A_550 : memref<50xi32, #tpu.memory_space<vmem>>) semaphore(%arg8 : memref<!tpu.dma_semaphore, #tpu.memory_space<semaphore_mem>>)
      %mul3A_554 = arith.constant 16 : i32
      %mul3A_555 = arith.muli %add3A_463, %mul3A_554 : i32
      %add3A_556 = arith.constant 6 : i32
      %add3A_557 = arith.addi %mul3A_555, %add3A_556 : i32
      %dma_start3A_558 = arith.constant 6 : i32
      %dma_start3A_559 = arith.constant 0 : i32
      %dma_start3A_560 = arith.constant 0 : i32
      %dma_start3A_561 = tpu.memref_slice %arg6[%dma_start3A_558, %dma_start3A_559, %dma_start3A_560] : memref<16x50x64xf32, #tpu.memory_space<vmem>> -> memref<1x50x64xf32, #tpu.memory_space<vmem>>
      %dma_start3A_562 = tpu.memref_squeeze %dma_start3A_561 : memref<1x50x64xf32, #tpu.memory_space<vmem>> -> memref<50x64xf32, #tpu.memory_space<vmem>>
      %dma_start3A_563 = arith.constant 0 : i32
      %dma_start3A_564 = tpu.memref_slice %arg5[%add3A_557, %dma_start3A_563] : memref<512x50xi32, #tpu.memory_space<vmem>> -> memref<1x50xi32, #tpu.memory_space<vmem>>
      %dma_start3A_565 = tpu.memref_squeeze %dma_start3A_564 : memref<1x50xi32, #tpu.memory_space<vmem>> -> memref<50xi32, #tpu.memory_space<vmem>>
      %dma_start3A_566 = arith.constant 0 : i32
      %dma_start3A_567 = arith.constant 0 : i32
      %dma_start3A_568 = tpu.memref_slice %arg2[%dma_start3A_566, %dma_start3A_567] : memref<1000000x64xf32, #tpu.memory_space<hbm>> -> memref<1000000x64xf32, #tpu.memory_space<hbm>>
      tpu.enqueue_indirect_dma source(%dma_start3A_568 : memref<1000000x64xf32, #tpu.memory_space<hbm>>) target(%dma_start3A_562 : memref<50x64xf32, #tpu.memory_space<vmem>>) offsets(%dma_start3A_565 : memref<50xi32, #tpu.memory_space<vmem>>) semaphore(%arg8 : memref<!tpu.dma_semaphore, #tpu.memory_space<semaphore_mem>>)
      %mul3A_569 = arith.constant 16 : i32
      %mul3A_570 = arith.muli %add3A_463, %mul3A_569 : i32
      %add3A_571 = arith.constant 7 : i32
      %add3A_572 = arith.addi %mul3A_570, %add3A_571 : i32
      %dma_start3A_573 = arith.constant 7 : i32
      %dma_start3A_574 = arith.constant 0 : i32
      %dma_start3A_575 = arith.constant 0 : i32
      %dma_start3A_576 = tpu.memref_slice %arg6[%dma_start3A_573, %dma_start3A_574, %dma_start3A_575] : memref<16x50x64xf32, #tpu.memory_space<vmem>> -> memref<1x50x64xf32, #tpu.memory_space<vmem>>
      %dma_start3A_577 = tpu.memref_squeeze %dma_start3A_576 : memref<1x50x64xf32, #tpu.memory_space<vmem>> -> memref<50x64xf32, #tpu.memory_space<vmem>>
      %dma_start3A_578 = arith.constant 0 : i32
      %dma_start3A_579 = tpu.memref_slice %arg5[%add3A_572, %dma_start3A_578] : memref<512x50xi32, #tpu.memory_space<vmem>> -> memref<1x50xi32, #tpu.memory_space<vmem>>
      %dma_start3A_580 = tpu.memref_squeeze %dma_start3A_579 : memref<1x50xi32, #tpu.memory_space<vmem>> -> memref<50xi32, #tpu.memory_space<vmem>>
      %dma_start3A_581 = arith.constant 0 : i32
      %dma_start3A_582 = arith.constant 0 : i32
      %dma_start3A_583 = tpu.memref_slice %arg2[%dma_start3A_581, %dma_start3A_582] : memref<1000000x64xf32, #tpu.memory_space<hbm>> -> memref<1000000x64xf32, #tpu.memory_space<hbm>>
      tpu.enqueue_indirect_dma source(%dma_start3A_583 : memref<1000000x64xf32, #tpu.memory_space<hbm>>) target(%dma_start3A_577 : memref<50x64xf32, #tpu.memory_space<vmem>>) offsets(%dma_start3A_580 : memref<50xi32, #tpu.memory_space<vmem>>) semaphore(%arg8 : memref<!tpu.dma_semaphore, #tpu.memory_space<semaphore_mem>>)
      %mul3A_584 = arith.constant 16 : i32
      %mul3A_585 = arith.muli %add3A_463, %mul3A_584 : i32
      %add3A_586 = arith.constant 8 : i32
      %add3A_587 = arith.addi %mul3A_585, %add3A_586 : i32
      %dma_start3A_588 = arith.constant 8 : i32
      %dma_start3A_589 = arith.constant 0 : i32
      %dma_start3A_590 = arith.constant 0 : i32
      %dma_start3A_591 = tpu.memref_slice %arg6[%dma_start3A_588, %dma_start3A_589, %dma_start3A_590] : memref<16x50x64xf32, #tpu.memory_space<vmem>> -> memref<1x50x64xf32, #tpu.memory_space<vmem>>
      %dma_start3A_592 = tpu.memref_squeeze %dma_start3A_591 : memref<1x50x64xf32, #tpu.memory_space<vmem>> -> memref<50x64xf32, #tpu.memory_space<vmem>>
      %dma_start3A_593 = arith.constant 0 : i32
      %dma_start3A_594 = tpu.memref_slice %arg5[%add3A_587, %dma_start3A_593] : memref<512x50xi32, #tpu.memory_space<vmem>> -> memref<1x50xi32, #tpu.memory_space<vmem>>
      %dma_start3A_595 = tpu.memref_squeeze %dma_start3A_594 : memref<1x50xi32, #tpu.memory_space<vmem>> -> memref<50xi32, #tpu.memory_space<vmem>>
      %dma_start3A_596 = arith.constant 0 : i32
      %dma_start3A_597 = arith.constant 0 : i32
      %dma_start3A_598 = tpu.memref_slice %arg2[%dma_start3A_596, %dma_start3A_597] : memref<1000000x64xf32, #tpu.memory_space<hbm>> -> memref<1000000x64xf32, #tpu.memory_space<hbm>>
      tpu.enqueue_indirect_dma source(%dma_start3A_598 : memref<1000000x64xf32, #tpu.memory_space<hbm>>) target(%dma_start3A_592 : memref<50x64xf32, #tpu.memory_space<vmem>>) offsets(%dma_start3A_595 : memref<50xi32, #tpu.memory_space<vmem>>) semaphore(%arg8 : memref<!tpu.dma_semaphore, #tpu.memory_space<semaphore_mem>>)
      %mul3A_599 = arith.constant 16 : i32
      %mul3A_600 = arith.muli %add3A_463, %mul3A_599 : i32
      %add3A_601 = arith.constant 9 : i32
      %add3A_602 = arith.addi %mul3A_600, %add3A_601 : i32
      %dma_start3A_603 = arith.constant 9 : i32
      %dma_start3A_604 = arith.constant 0 : i32
      %dma_start3A_605 = arith.constant 0 : i32
      %dma_start3A_606 = tpu.memref_slice %arg6[%dma_start3A_603, %dma_start3A_604, %dma_start3A_605] : memref<16x50x64xf32, #tpu.memory_space<vmem>> -> memref<1x50x64xf32, #tpu.memory_space<vmem>>
      %dma_start3A_607 = tpu.memref_squeeze %dma_start3A_606 : memref<1x50x64xf32, #tpu.memory_space<vmem>> -> memref<50x64xf32, #tpu.memory_space<vmem>>
      %dma_start3A_608 = arith.constant 0 : i32
      %dma_start3A_609 = tpu.memref_slice %arg5[%add3A_602, %dma_start3A_608] : memref<512x50xi32, #tpu.memory_space<vmem>> -> memref<1x50xi32, #tpu.memory_space<vmem>>
      %dma_start3A_610 = tpu.memref_squeeze %dma_start3A_609 : memref<1x50xi32, #tpu.memory_space<vmem>> -> memref<50xi32, #tpu.memory_space<vmem>>
      %dma_start3A_611 = arith.constant 0 : i32
      %dma_start3A_612 = arith.constant 0 : i32
      %dma_start3A_613 = tpu.memref_slice %arg2[%dma_start3A_611, %dma_start3A_612] : memref<1000000x64xf32, #tpu.memory_space<hbm>> -> memref<1000000x64xf32, #tpu.memory_space<hbm>>
      tpu.enqueue_indirect_dma source(%dma_start3A_613 : memref<1000000x64xf32, #tpu.memory_space<hbm>>) target(%dma_start3A_607 : memref<50x64xf32, #tpu.memory_space<vmem>>) offsets(%dma_start3A_610 : memref<50xi32, #tpu.memory_space<vmem>>) semaphore(%arg8 : memref<!tpu.dma_semaphore, #tpu.memory_space<semaphore_mem>>)
      %mul3A_614 = arith.constant 16 : i32
      %mul3A_615 = arith.muli %add3A_463, %mul3A_614 : i32
      %add3A_616 = arith.constant 10 : i32
      %add3A_617 = arith.addi %mul3A_615, %add3A_616 : i32
      %dma_start3A_618 = arith.constant 10 : i32
      %dma_start3A_619 = arith.constant 0 : i32
      %dma_start3A_620 = arith.constant 0 : i32
      %dma_start3A_621 = tpu.memref_slice %arg6[%dma_start3A_618, %dma_start3A_619, %dma_start3A_620] : memref<16x50x64xf32, #tpu.memory_space<vmem>> -> memref<1x50x64xf32, #tpu.memory_space<vmem>>
      %dma_start3A_622 = tpu.memref_squeeze %dma_start3A_621 : memref<1x50x64xf32, #tpu.memory_space<vmem>> -> memref<50x64xf32, #tpu.memory_space<vmem>>
      %dma_start3A_623 = arith.constant 0 : i32
      %dma_start3A_624 = tpu.memref_slice %arg5[%add3A_617, %dma_start3A_623] : memref<512x50xi32, #tpu.memory_space<vmem>> -> memref<1x50xi32, #tpu.memory_space<vmem>>
      %dma_start3A_625 = tpu.memref_squeeze %dma_start3A_624 : memref<1x50xi32, #tpu.memory_space<vmem>> -> memref<50xi32, #tpu.memory_space<vmem>>
      %dma_start3A_626 = arith.constant 0 : i32
      %dma_start3A_627 = arith.constant 0 : i32
      %dma_start3A_628 = tpu.memref_slice %arg2[%dma_start3A_626, %dma_start3A_627] : memref<1000000x64xf32, #tpu.memory_space<hbm>> -> memref<1000000x64xf32, #tpu.memory_space<hbm>>
      tpu.enqueue_indirect_dma source(%dma_start3A_628 : memref<1000000x64xf32, #tpu.memory_space<hbm>>) target(%dma_start3A_622 : memref<50x64xf32, #tpu.memory_space<vmem>>) offsets(%dma_start3A_625 : memref<50xi32, #tpu.memory_space<vmem>>) semaphore(%arg8 : memref<!tpu.dma_semaphore, #tpu.memory_space<semaphore_mem>>)
      %mul3A_629 = arith.constant 16 : i32
      %mul3A_630 = arith.muli %add3A_463, %mul3A_629 : i32
      %add3A_631 = arith.constant 11 : i32
      %add3A_632 = arith.addi %mul3A_630, %add3A_631 : i32
      %dma_start3A_633 = arith.constant 11 : i32
      %dma_start3A_634 = arith.constant 0 : i32
      %dma_start3A_635 = arith.constant 0 : i32
      %dma_start3A_636 = tpu.memref_slice %arg6[%dma_start3A_633, %dma_start3A_634, %dma_start3A_635] : memref<16x50x64xf32, #tpu.memory_space<vmem>> -> memref<1x50x64xf32, #tpu.memory_space<vmem>>
      %dma_start3A_637 = tpu.memref_squeeze %dma_start3A_636 : memref<1x50x64xf32, #tpu.memory_space<vmem>> -> memref<50x64xf32, #tpu.memory_space<vmem>>
      %dma_start3A_638 = arith.constant 0 : i32
      %dma_start3A_639 = tpu.memref_slice %arg5[%add3A_632, %dma_start3A_638] : memref<512x50xi32, #tpu.memory_space<vmem>> -> memref<1x50xi32, #tpu.memory_space<vmem>>
      %dma_start3A_640 = tpu.memref_squeeze %dma_start3A_639 : memref<1x50xi32, #tpu.memory_space<vmem>> -> memref<50xi32, #tpu.memory_space<vmem>>
      %dma_start3A_641 = arith.constant 0 : i32
      %dma_start3A_642 = arith.constant 0 : i32
      %dma_start3A_643 = tpu.memref_slice %arg2[%dma_start3A_641, %dma_start3A_642] : memref<1000000x64xf32, #tpu.memory_space<hbm>> -> memref<1000000x64xf32, #tpu.memory_space<hbm>>
      tpu.enqueue_indirect_dma source(%dma_start3A_643 : memref<1000000x64xf32, #tpu.memory_space<hbm>>) target(%dma_start3A_637 : memref<50x64xf32, #tpu.memory_space<vmem>>) offsets(%dma_start3A_640 : memref<50xi32, #tpu.memory_space<vmem>>) semaphore(%arg8 : memref<!tpu.dma_semaphore, #tpu.memory_space<semaphore_mem>>)
      %mul3A_644 = arith.constant 16 : i32
      %mul3A_645 = arith.muli %add3A_463, %mul3A_644 : i32
      %add3A_646 = arith.constant 12 : i32
      %add3A_647 = arith.addi %mul3A_645, %add3A_646 : i32
      %dma_start3A_648 = arith.constant 12 : i32
      %dma_start3A_649 = arith.constant 0 : i32
      %dma_start3A_650 = arith.constant 0 : i32
      %dma_start3A_651 = tpu.memref_slice %arg6[%dma_start3A_648, %dma_start3A_649, %dma_start3A_650] : memref<16x50x64xf32, #tpu.memory_space<vmem>> -> memref<1x50x64xf32, #tpu.memory_space<vmem>>
      %dma_start3A_652 = tpu.memref_squeeze %dma_start3A_651 : memref<1x50x64xf32, #tpu.memory_space<vmem>> -> memref<50x64xf32, #tpu.memory_space<vmem>>
      %dma_start3A_653 = arith.constant 0 : i32
      %dma_start3A_654 = tpu.memref_slice %arg5[%add3A_647, %dma_start3A_653] : memref<512x50xi32, #tpu.memory_space<vmem>> -> memref<1x50xi32, #tpu.memory_space<vmem>>
      %dma_start3A_655 = tpu.memref_squeeze %dma_start3A_654 : memref<1x50xi32, #tpu.memory_space<vmem>> -> memref<50xi32, #tpu.memory_space<vmem>>
      %dma_start3A_656 = arith.constant 0 : i32
      %dma_start3A_657 = arith.constant 0 : i32
      %dma_start3A_658 = tpu.memref_slice %arg2[%dma_start3A_656, %dma_start3A_657] : memref<1000000x64xf32, #tpu.memory_space<hbm>> -> memref<1000000x64xf32, #tpu.memory_space<hbm>>
      tpu.enqueue_indirect_dma source(%dma_start3A_658 : memref<1000000x64xf32, #tpu.memory_space<hbm>>) target(%dma_start3A_652 : memref<50x64xf32, #tpu.memory_space<vmem>>) offsets(%dma_start3A_655 : memref<50xi32, #tpu.memory_space<vmem>>) semaphore(%arg8 : memref<!tpu.dma_semaphore, #tpu.memory_space<semaphore_mem>>)
      %mul3A_659 = arith.constant 16 : i32
      %mul3A_660 = arith.muli %add3A_463, %mul3A_659 : i32
      %add3A_661 = arith.constant 13 : i32
      %add3A_662 = arith.addi %mul3A_660, %add3A_661 : i32
      %dma_start3A_663 = arith.constant 13 : i32
      %dma_start3A_664 = arith.constant 0 : i32
      %dma_start3A_665 = arith.constant 0 : i32
      %dma_start3A_666 = tpu.memref_slice %arg6[%dma_start3A_663, %dma_start3A_664, %dma_start3A_665] : memref<16x50x64xf32, #tpu.memory_space<vmem>> -> memref<1x50x64xf32, #tpu.memory_space<vmem>>
      %dma_start3A_667 = tpu.memref_squeeze %dma_start3A_666 : memref<1x50x64xf32, #tpu.memory_space<vmem>> -> memref<50x64xf32, #tpu.memory_space<vmem>>
      %dma_start3A_668 = arith.constant 0 : i32
      %dma_start3A_669 = tpu.memref_slice %arg5[%add3A_662, %dma_start3A_668] : memref<512x50xi32, #tpu.memory_space<vmem>> -> memref<1x50xi32, #tpu.memory_space<vmem>>
      %dma_start3A_670 = tpu.memref_squeeze %dma_start3A_669 : memref<1x50xi32, #tpu.memory_space<vmem>> -> memref<50xi32, #tpu.memory_space<vmem>>
      %dma_start3A_671 = arith.constant 0 : i32
      %dma_start3A_672 = arith.constant 0 : i32
      %dma_start3A_673 = tpu.memref_slice %arg2[%dma_start3A_671, %dma_start3A_672] : memref<1000000x64xf32, #tpu.memory_space<hbm>> -> memref<1000000x64xf32, #tpu.memory_space<hbm>>
      tpu.enqueue_indirect_dma source(%dma_start3A_673 : memref<1000000x64xf32, #tpu.memory_space<hbm>>) target(%dma_start3A_667 : memref<50x64xf32, #tpu.memory_space<vmem>>) offsets(%dma_start3A_670 : memref<50xi32, #tpu.memory_space<vmem>>) semaphore(%arg8 : memref<!tpu.dma_semaphore, #tpu.memory_space<semaphore_mem>>)
      %mul3A_674 = arith.constant 16 : i32
      %mul3A_675 = arith.muli %add3A_463, %mul3A_674 : i32
      %add3A_676 = arith.constant 14 : i32
      %add3A_677 = arith.addi %mul3A_675, %add3A_676 : i32
      %dma_start3A_678 = arith.constant 14 : i32
      %dma_start3A_679 = arith.constant 0 : i32
      %dma_start3A_680 = arith.constant 0 : i32
      %dma_start3A_681 = tpu.memref_slice %arg6[%dma_start3A_678, %dma_start3A_679, %dma_start3A_680] : memref<16x50x64xf32, #tpu.memory_space<vmem>> -> memref<1x50x64xf32, #tpu.memory_space<vmem>>
      %dma_start3A_682 = tpu.memref_squeeze %dma_start3A_681 : memref<1x50x64xf32, #tpu.memory_space<vmem>> -> memref<50x64xf32, #tpu.memory_space<vmem>>
      %dma_start3A_683 = arith.constant 0 : i32
      %dma_start3A_684 = tpu.memref_slice %arg5[%add3A_677, %dma_start3A_683] : memref<512x50xi32, #tpu.memory_space<vmem>> -> memref<1x50xi32, #tpu.memory_space<vmem>>
      %dma_start3A_685 = tpu.memref_squeeze %dma_start3A_684 : memref<1x50xi32, #tpu.memory_space<vmem>> -> memref<50xi32, #tpu.memory_space<vmem>>
      %dma_start3A_686 = arith.constant 0 : i32
      %dma_start3A_687 = arith.constant 0 : i32
      %dma_start3A_688 = tpu.memref_slice %arg2[%dma_start3A_686, %dma_start3A_687] : memref<1000000x64xf32, #tpu.memory_space<hbm>> -> memref<1000000x64xf32, #tpu.memory_space<hbm>>
      tpu.enqueue_indirect_dma source(%dma_start3A_688 : memref<1000000x64xf32, #tpu.memory_space<hbm>>) target(%dma_start3A_682 : memref<50x64xf32, #tpu.memory_space<vmem>>) offsets(%dma_start3A_685 : memref<50xi32, #tpu.memory_space<vmem>>) semaphore(%arg8 : memref<!tpu.dma_semaphore, #tpu.memory_space<semaphore_mem>>)
      %mul3A_689 = arith.constant 16 : i32
      %mul3A_690 = arith.muli %add3A_463, %mul3A_689 : i32
      %add3A_691 = arith.constant 15 : i32
      %add3A_692 = arith.addi %mul3A_690, %add3A_691 : i32
      %dma_start3A_693 = arith.constant 15 : i32
      %dma_start3A_694 = arith.constant 0 : i32
      %dma_start3A_695 = arith.constant 0 : i32
      %dma_start3A_696 = tpu.memref_slice %arg6[%dma_start3A_693, %dma_start3A_694, %dma_start3A_695] : memref<16x50x64xf32, #tpu.memory_space<vmem>> -> memref<1x50x64xf32, #tpu.memory_space<vmem>>
      %dma_start3A_697 = tpu.memref_squeeze %dma_start3A_696 : memref<1x50x64xf32, #tpu.memory_space<vmem>> -> memref<50x64xf32, #tpu.memory_space<vmem>>
      %dma_start3A_698 = arith.constant 0 : i32
      %dma_start3A_699 = tpu.memref_slice %arg5[%add3A_692, %dma_start3A_698] : memref<512x50xi32, #tpu.memory_space<vmem>> -> memref<1x50xi32, #tpu.memory_space<vmem>>
      %dma_start3A_700 = tpu.memref_squeeze %dma_start3A_699 : memref<1x50xi32, #tpu.memory_space<vmem>> -> memref<50xi32, #tpu.memory_space<vmem>>
      %dma_start3A_701 = arith.constant 0 : i32
      %dma_start3A_702 = arith.constant 0 : i32
      %dma_start3A_703 = tpu.memref_slice %arg2[%dma_start3A_701, %dma_start3A_702] : memref<1000000x64xf32, #tpu.memory_space<hbm>> -> memref<1000000x64xf32, #tpu.memory_space<hbm>>
      tpu.enqueue_indirect_dma source(%dma_start3A_703 : memref<1000000x64xf32, #tpu.memory_space<hbm>>) target(%dma_start3A_697 : memref<50x64xf32, #tpu.memory_space<vmem>>) offsets(%dma_start3A_700 : memref<50xi32, #tpu.memory_space<vmem>>) semaphore(%arg8 : memref<!tpu.dma_semaphore, #tpu.memory_space<semaphore_mem>>)
      %dma_wait3A_704 = arith.constant 0 : i32
      %dma_wait3A_705 = arith.constant 0 : i32
      %dma_wait3A_706 = tpu.memref_slice %arg4[%mul3A_2, %dma_wait3A_704, %dma_wait3A_705] : memref<16384x50x64xf32, #tpu.memory_space<hbm>> -> memref<16x50x64xf32, #tpu.memory_space<hbm>>
      %dma_wait3A_707 = arith.constant 0 : i32
      %dma_wait3A_708 = arith.constant 0 : i32
      %dma_wait3A_709 = tpu.memref_slice %arg4[%mul3A_2, %dma_wait3A_707, %dma_wait3A_708] : memref<16384x50x64xf32, #tpu.memory_space<hbm>> -> memref<16x50x64xf32, #tpu.memory_space<hbm>>
      tpu.wait_dma2 semaphore(%arg8 : memref<!tpu.dma_semaphore, #tpu.memory_space<semaphore_mem>>) src(%dma_wait3A_709 : memref<16x50x64xf32, #tpu.memory_space<hbm>>) dst(%arg6 : memref<16x50x64xf32, #tpu.memory_space<vmem>>)
      %add3A_710 = arith.constant 1 : i32
      %add3A_711 = arith.addi %add3A_436, %add3A_710 : i32
      %mul3A_712 = arith.constant 16 : i32
      %mul3A_713 = arith.muli %add3A_711, %mul3A_712 : i32
      %add3A_714 = arith.addi %mul3A_2, %mul3A_713 : i32
      %dma_start3A_715 = arith.constant 0 : i32
      %dma_start3A_716 = arith.constant 0 : i32
      %dma_start3A_717 = tpu.memref_slice %arg4[%add3A_714, %dma_start3A_715, %dma_start3A_716] : memref<16384x50x64xf32, #tpu.memory_space<hbm>> -> memref<16x50x64xf32, #tpu.memory_space<hbm>>
      %dma_start3A_718 = arith.constant 0 : i32
      %dma_start3A_719 = arith.constant 0 : i32
      %dma_start3A_720 = tpu.memref_slice %arg4[%add3A_714, %dma_start3A_718, %dma_start3A_719] : memref<16384x50x64xf32, #tpu.memory_space<hbm>> -> memref<16x50x64xf32, #tpu.memory_space<hbm>>
      tpu.enqueue_dma source(%arg6 : memref<16x50x64xf32, #tpu.memory_space<vmem>>) target(%dma_start3A_720 : memref<16x50x64xf32, #tpu.memory_space<hbm>>) target_semaphore(%arg10 : memref<!tpu.dma_semaphore, #tpu.memory_space<semaphore_mem>>)
      %dma_wait3A_721 = arith.constant 0 : i32
      %dma_wait3A_722 = arith.constant 0 : i32
      %dma_wait3A_723 = tpu.memref_slice %arg4[%mul3A_2, %dma_wait3A_721, %dma_wait3A_722] : memref<16384x50x64xf32, #tpu.memory_space<hbm>> -> memref<16x50x64xf32, #tpu.memory_space<hbm>>
      %dma_wait3A_724 = arith.constant 0 : i32
      %dma_wait3A_725 = arith.constant 0 : i32
      %dma_wait3A_726 = tpu.memref_slice %arg4[%mul3A_2, %dma_wait3A_724, %dma_wait3A_725] : memref<16384x50x64xf32, #tpu.memory_space<hbm>> -> memref<16x50x64xf32, #tpu.memory_space<hbm>>
      tpu.wait_dma2 semaphore(%arg11 : memref<!tpu.dma_semaphore, #tpu.memory_space<semaphore_mem>>) src(%arg7 : memref<16x50x64xf32, #tpu.memory_space<vmem>>) dst(%dma_wait3A_726 : memref<16x50x64xf32, #tpu.memory_space<hbm>>)
      %add3A_727 = arith.constant 1 : i32
      %add3A_728 = arith.addi %add3A_436, %add3A_727 : i32
      %add3A_729 = arith.constant 1 : i32
      %add3A_730 = arith.addi %add3A_728, %add3A_729 : i32
      %mul3A_731 = arith.constant 16 : i32
      %mul3A_732 = arith.muli %add3A_730, %mul3A_731 : i32
      %add3A_733 = arith.constant 0 : i32
      %add3A_734 = arith.addi %mul3A_732, %add3A_733 : i32
      %dma_start3A_735 = arith.constant 0 : i32
      %dma_start3A_736 = arith.constant 0 : i32
      %dma_start3A_737 = arith.constant 0 : i32
      %dma_start3A_738 = tpu.memref_slice %arg7[%dma_start3A_735, %dma_start3A_736, %dma_start3A_737] : memref<16x50x64xf32, #tpu.memory_space<vmem>> -> memref<1x50x64xf32, #tpu.memory_space<vmem>>
      %dma_start3A_739 = tpu.memref_squeeze %dma_start3A_738 : memref<1x50x64xf32, #tpu.memory_space<vmem>> -> memref<50x64xf32, #tpu.memory_space<vmem>>
      %dma_start3A_740 = arith.constant 0 : i32
      %dma_start3A_741 = tpu.memref_slice %arg5[%add3A_734, %dma_start3A_740] : memref<512x50xi32, #tpu.memory_space<vmem>> -> memref<1x50xi32, #tpu.memory_space<vmem>>
      %dma_start3A_742 = tpu.memref_squeeze %dma_start3A_741 : memref<1x50xi32, #tpu.memory_space<vmem>> -> memref<50xi32, #tpu.memory_space<vmem>>
      %dma_start3A_743 = arith.constant 0 : i32
      %dma_start3A_744 = arith.constant 0 : i32
      %dma_start3A_745 = tpu.memref_slice %arg2[%dma_start3A_743, %dma_start3A_744] : memref<1000000x64xf32, #tpu.memory_space<hbm>> -> memref<1000000x64xf32, #tpu.memory_space<hbm>>
      tpu.enqueue_indirect_dma source(%dma_start3A_745 : memref<1000000x64xf32, #tpu.memory_space<hbm>>) target(%dma_start3A_739 : memref<50x64xf32, #tpu.memory_space<vmem>>) offsets(%dma_start3A_742 : memref<50xi32, #tpu.memory_space<vmem>>) semaphore(%arg9 : memref<!tpu.dma_semaphore, #tpu.memory_space<semaphore_mem>>)
      %mul3A_746 = arith.constant 16 : i32
      %mul3A_747 = arith.muli %add3A_730, %mul3A_746 : i32
      %add3A_748 = arith.constant 1 : i32
      %add3A_749 = arith.addi %mul3A_747, %add3A_748 : i32
      %dma_start3A_750 = arith.constant 1 : i32
      %dma_start3A_751 = arith.constant 0 : i32
      %dma_start3A_752 = arith.constant 0 : i32
      %dma_start3A_753 = tpu.memref_slice %arg7[%dma_start3A_750, %dma_start3A_751, %dma_start3A_752] : memref<16x50x64xf32, #tpu.memory_space<vmem>> -> memref<1x50x64xf32, #tpu.memory_space<vmem>>
      %dma_start3A_754 = tpu.memref_squeeze %dma_start3A_753 : memref<1x50x64xf32, #tpu.memory_space<vmem>> -> memref<50x64xf32, #tpu.memory_space<vmem>>
      %dma_start3A_755 = arith.constant 0 : i32
      %dma_start3A_756 = tpu.memref_slice %arg5[%add3A_749, %dma_start3A_755] : memref<512x50xi32, #tpu.memory_space<vmem>> -> memref<1x50xi32, #tpu.memory_space<vmem>>
      %dma_start3A_757 = tpu.memref_squeeze %dma_start3A_756 : memref<1x50xi32, #tpu.memory_space<vmem>> -> memref<50xi32, #tpu.memory_space<vmem>>
      %dma_start3A_758 = arith.constant 0 : i32
      %dma_start3A_759 = arith.constant 0 : i32
      %dma_start3A_760 = tpu.memref_slice %arg2[%dma_start3A_758, %dma_start3A_759] : memref<1000000x64xf32, #tpu.memory_space<hbm>> -> memref<1000000x64xf32, #tpu.memory_space<hbm>>
      tpu.enqueue_indirect_dma source(%dma_start3A_760 : memref<1000000x64xf32, #tpu.memory_space<hbm>>) target(%dma_start3A_754 : memref<50x64xf32, #tpu.memory_space<vmem>>) offsets(%dma_start3A_757 : memref<50xi32, #tpu.memory_space<vmem>>) semaphore(%arg9 : memref<!tpu.dma_semaphore, #tpu.memory_space<semaphore_mem>>)
      %mul3A_761 = arith.constant 16 : i32
      %mul3A_762 = arith.muli %add3A_730, %mul3A_761 : i32
      %add3A_763 = arith.constant 2 : i32
      %add3A_764 = arith.addi %mul3A_762, %add3A_763 : i32
      %dma_start3A_765 = arith.constant 2 : i32
      %dma_start3A_766 = arith.constant 0 : i32
      %dma_start3A_767 = arith.constant 0 : i32
      %dma_start3A_768 = tpu.memref_slice %arg7[%dma_start3A_765, %dma_start3A_766, %dma_start3A_767] : memref<16x50x64xf32, #tpu.memory_space<vmem>> -> memref<1x50x64xf32, #tpu.memory_space<vmem>>
      %dma_start3A_769 = tpu.memref_squeeze %dma_start3A_768 : memref<1x50x64xf32, #tpu.memory_space<vmem>> -> memref<50x64xf32, #tpu.memory_space<vmem>>
      %dma_start3A_770 = arith.constant 0 : i32
      %dma_start3A_771 = tpu.memref_slice %arg5[%add3A_764, %dma_start3A_770] : memref<512x50xi32, #tpu.memory_space<vmem>> -> memref<1x50xi32, #tpu.memory_space<vmem>>
      %dma_start3A_772 = tpu.memref_squeeze %dma_start3A_771 : memref<1x50xi32, #tpu.memory_space<vmem>> -> memref<50xi32, #tpu.memory_space<vmem>>
      %dma_start3A_773 = arith.constant 0 : i32
      %dma_start3A_774 = arith.constant 0 : i32
      %dma_start3A_775 = tpu.memref_slice %arg2[%dma_start3A_773, %dma_start3A_774] : memref<1000000x64xf32, #tpu.memory_space<hbm>> -> memref<1000000x64xf32, #tpu.memory_space<hbm>>
      tpu.enqueue_indirect_dma source(%dma_start3A_775 : memref<1000000x64xf32, #tpu.memory_space<hbm>>) target(%dma_start3A_769 : memref<50x64xf32, #tpu.memory_space<vmem>>) offsets(%dma_start3A_772 : memref<50xi32, #tpu.memory_space<vmem>>) semaphore(%arg9 : memref<!tpu.dma_semaphore, #tpu.memory_space<semaphore_mem>>)
      %mul3A_776 = arith.constant 16 : i32
      %mul3A_777 = arith.muli %add3A_730, %mul3A_776 : i32
      %add3A_778 = arith.constant 3 : i32
      %add3A_779 = arith.addi %mul3A_777, %add3A_778 : i32
      %dma_start3A_780 = arith.constant 3 : i32
      %dma_start3A_781 = arith.constant 0 : i32
      %dma_start3A_782 = arith.constant 0 : i32
      %dma_start3A_783 = tpu.memref_slice %arg7[%dma_start3A_780, %dma_start3A_781, %dma_start3A_782] : memref<16x50x64xf32, #tpu.memory_space<vmem>> -> memref<1x50x64xf32, #tpu.memory_space<vmem>>
      %dma_start3A_784 = tpu.memref_squeeze %dma_start3A_783 : memref<1x50x64xf32, #tpu.memory_space<vmem>> -> memref<50x64xf32, #tpu.memory_space<vmem>>
      %dma_start3A_785 = arith.constant 0 : i32
      %dma_start3A_786 = tpu.memref_slice %arg5[%add3A_779, %dma_start3A_785] : memref<512x50xi32, #tpu.memory_space<vmem>> -> memref<1x50xi32, #tpu.memory_space<vmem>>
      %dma_start3A_787 = tpu.memref_squeeze %dma_start3A_786 : memref<1x50xi32, #tpu.memory_space<vmem>> -> memref<50xi32, #tpu.memory_space<vmem>>
      %dma_start3A_788 = arith.constant 0 : i32
      %dma_start3A_789 = arith.constant 0 : i32
      %dma_start3A_790 = tpu.memref_slice %arg2[%dma_start3A_788, %dma_start3A_789] : memref<1000000x64xf32, #tpu.memory_space<hbm>> -> memref<1000000x64xf32, #tpu.memory_space<hbm>>
      tpu.enqueue_indirect_dma source(%dma_start3A_790 : memref<1000000x64xf32, #tpu.memory_space<hbm>>) target(%dma_start3A_784 : memref<50x64xf32, #tpu.memory_space<vmem>>) offsets(%dma_start3A_787 : memref<50xi32, #tpu.memory_space<vmem>>) semaphore(%arg9 : memref<!tpu.dma_semaphore, #tpu.memory_space<semaphore_mem>>)
      %mul3A_791 = arith.constant 16 : i32
      %mul3A_792 = arith.muli %add3A_730, %mul3A_791 : i32
      %add3A_793 = arith.constant 4 : i32
      %add3A_794 = arith.addi %mul3A_792, %add3A_793 : i32
      %dma_start3A_795 = arith.constant 4 : i32
      %dma_start3A_796 = arith.constant 0 : i32
      %dma_start3A_797 = arith.constant 0 : i32
      %dma_start3A_798 = tpu.memref_slice %arg7[%dma_start3A_795, %dma_start3A_796, %dma_start3A_797] : memref<16x50x64xf32, #tpu.memory_space<vmem>> -> memref<1x50x64xf32, #tpu.memory_space<vmem>>
      %dma_start3A_799 = tpu.memref_squeeze %dma_start3A_798 : memref<1x50x64xf32, #tpu.memory_space<vmem>> -> memref<50x64xf32, #tpu.memory_space<vmem>>
      %dma_start3A_800 = arith.constant 0 : i32
      %dma_start3A_801 = tpu.memref_slice %arg5[%add3A_794, %dma_start3A_800] : memref<512x50xi32, #tpu.memory_space<vmem>> -> memref<1x50xi32, #tpu.memory_space<vmem>>
      %dma_start3A_802 = tpu.memref_squeeze %dma_start3A_801 : memref<1x50xi32, #tpu.memory_space<vmem>> -> memref<50xi32, #tpu.memory_space<vmem>>
      %dma_start3A_803 = arith.constant 0 : i32
      %dma_start3A_804 = arith.constant 0 : i32
      %dma_start3A_805 = tpu.memref_slice %arg2[%dma_start3A_803, %dma_start3A_804] : memref<1000000x64xf32, #tpu.memory_space<hbm>> -> memref<1000000x64xf32, #tpu.memory_space<hbm>>
      tpu.enqueue_indirect_dma source(%dma_start3A_805 : memref<1000000x64xf32, #tpu.memory_space<hbm>>) target(%dma_start3A_799 : memref<50x64xf32, #tpu.memory_space<vmem>>) offsets(%dma_start3A_802 : memref<50xi32, #tpu.memory_space<vmem>>) semaphore(%arg9 : memref<!tpu.dma_semaphore, #tpu.memory_space<semaphore_mem>>)
      %mul3A_806 = arith.constant 16 : i32
      %mul3A_807 = arith.muli %add3A_730, %mul3A_806 : i32
      %add3A_808 = arith.constant 5 : i32
      %add3A_809 = arith.addi %mul3A_807, %add3A_808 : i32
      %dma_start3A_810 = arith.constant 5 : i32
      %dma_start3A_811 = arith.constant 0 : i32
      %dma_start3A_812 = arith.constant 0 : i32
      %dma_start3A_813 = tpu.memref_slice %arg7[%dma_start3A_810, %dma_start3A_811, %dma_start3A_812] : memref<16x50x64xf32, #tpu.memory_space<vmem>> -> memref<1x50x64xf32, #tpu.memory_space<vmem>>
      %dma_start3A_814 = tpu.memref_squeeze %dma_start3A_813 : memref<1x50x64xf32, #tpu.memory_space<vmem>> -> memref<50x64xf32, #tpu.memory_space<vmem>>
      %dma_start3A_815 = arith.constant 0 : i32
      %dma_start3A_816 = tpu.memref_slice %arg5[%add3A_809, %dma_start3A_815] : memref<512x50xi32, #tpu.memory_space<vmem>> -> memref<1x50xi32, #tpu.memory_space<vmem>>
      %dma_start3A_817 = tpu.memref_squeeze %dma_start3A_816 : memref<1x50xi32, #tpu.memory_space<vmem>> -> memref<50xi32, #tpu.memory_space<vmem>>
      %dma_start3A_818 = arith.constant 0 : i32
      %dma_start3A_819 = arith.constant 0 : i32
      %dma_start3A_820 = tpu.memref_slice %arg2[%dma_start3A_818, %dma_start3A_819] : memref<1000000x64xf32, #tpu.memory_space<hbm>> -> memref<1000000x64xf32, #tpu.memory_space<hbm>>
      tpu.enqueue_indirect_dma source(%dma_start3A_820 : memref<1000000x64xf32, #tpu.memory_space<hbm>>) target(%dma_start3A_814 : memref<50x64xf32, #tpu.memory_space<vmem>>) offsets(%dma_start3A_817 : memref<50xi32, #tpu.memory_space<vmem>>) semaphore(%arg9 : memref<!tpu.dma_semaphore, #tpu.memory_space<semaphore_mem>>)
      %mul3A_821 = arith.constant 16 : i32
      %mul3A_822 = arith.muli %add3A_730, %mul3A_821 : i32
      %add3A_823 = arith.constant 6 : i32
      %add3A_824 = arith.addi %mul3A_822, %add3A_823 : i32
      %dma_start3A_825 = arith.constant 6 : i32
      %dma_start3A_826 = arith.constant 0 : i32
      %dma_start3A_827 = arith.constant 0 : i32
      %dma_start3A_828 = tpu.memref_slice %arg7[%dma_start3A_825, %dma_start3A_826, %dma_start3A_827] : memref<16x50x64xf32, #tpu.memory_space<vmem>> -> memref<1x50x64xf32, #tpu.memory_space<vmem>>
      %dma_start3A_829 = tpu.memref_squeeze %dma_start3A_828 : memref<1x50x64xf32, #tpu.memory_space<vmem>> -> memref<50x64xf32, #tpu.memory_space<vmem>>
      %dma_start3A_830 = arith.constant 0 : i32
      %dma_start3A_831 = tpu.memref_slice %arg5[%add3A_824, %dma_start3A_830] : memref<512x50xi32, #tpu.memory_space<vmem>> -> memref<1x50xi32, #tpu.memory_space<vmem>>
      %dma_start3A_832 = tpu.memref_squeeze %dma_start3A_831 : memref<1x50xi32, #tpu.memory_space<vmem>> -> memref<50xi32, #tpu.memory_space<vmem>>
      %dma_start3A_833 = arith.constant 0 : i32
      %dma_start3A_834 = arith.constant 0 : i32
      %dma_start3A_835 = tpu.memref_slice %arg2[%dma_start3A_833, %dma_start3A_834] : memref<1000000x64xf32, #tpu.memory_space<hbm>> -> memref<1000000x64xf32, #tpu.memory_space<hbm>>
      tpu.enqueue_indirect_dma source(%dma_start3A_835 : memref<1000000x64xf32, #tpu.memory_space<hbm>>) target(%dma_start3A_829 : memref<50x64xf32, #tpu.memory_space<vmem>>) offsets(%dma_start3A_832 : memref<50xi32, #tpu.memory_space<vmem>>) semaphore(%arg9 : memref<!tpu.dma_semaphore, #tpu.memory_space<semaphore_mem>>)
      %mul3A_836 = arith.constant 16 : i32
      %mul3A_837 = arith.muli %add3A_730, %mul3A_836 : i32
      %add3A_838 = arith.constant 7 : i32
      %add3A_839 = arith.addi %mul3A_837, %add3A_838 : i32
      %dma_start3A_840 = arith.constant 7 : i32
      %dma_start3A_841 = arith.constant 0 : i32
      %dma_start3A_842 = arith.constant 0 : i32
      %dma_start3A_843 = tpu.memref_slice %arg7[%dma_start3A_840, %dma_start3A_841, %dma_start3A_842] : memref<16x50x64xf32, #tpu.memory_space<vmem>> -> memref<1x50x64xf32, #tpu.memory_space<vmem>>
      %dma_start3A_844 = tpu.memref_squeeze %dma_start3A_843 : memref<1x50x64xf32, #tpu.memory_space<vmem>> -> memref<50x64xf32, #tpu.memory_space<vmem>>
      %dma_start3A_845 = arith.constant 0 : i32
      %dma_start3A_846 = tpu.memref_slice %arg5[%add3A_839, %dma_start3A_845] : memref<512x50xi32, #tpu.memory_space<vmem>> -> memref<1x50xi32, #tpu.memory_space<vmem>>
      %dma_start3A_847 = tpu.memref_squeeze %dma_start3A_846 : memref<1x50xi32, #tpu.memory_space<vmem>> -> memref<50xi32, #tpu.memory_space<vmem>>
      %dma_start3A_848 = arith.constant 0 : i32
      %dma_start3A_849 = arith.constant 0 : i32
      %dma_start3A_850 = tpu.memref_slice %arg2[%dma_start3A_848, %dma_start3A_849] : memref<1000000x64xf32, #tpu.memory_space<hbm>> -> memref<1000000x64xf32, #tpu.memory_space<hbm>>
      tpu.enqueue_indirect_dma source(%dma_start3A_850 : memref<1000000x64xf32, #tpu.memory_space<hbm>>) target(%dma_start3A_844 : memref<50x64xf32, #tpu.memory_space<vmem>>) offsets(%dma_start3A_847 : memref<50xi32, #tpu.memory_space<vmem>>) semaphore(%arg9 : memref<!tpu.dma_semaphore, #tpu.memory_space<semaphore_mem>>)
      %mul3A_851 = arith.constant 16 : i32
      %mul3A_852 = arith.muli %add3A_730, %mul3A_851 : i32
      %add3A_853 = arith.constant 8 : i32
      %add3A_854 = arith.addi %mul3A_852, %add3A_853 : i32
      %dma_start3A_855 = arith.constant 8 : i32
      %dma_start3A_856 = arith.constant 0 : i32
      %dma_start3A_857 = arith.constant 0 : i32
      %dma_start3A_858 = tpu.memref_slice %arg7[%dma_start3A_855, %dma_start3A_856, %dma_start3A_857] : memref<16x50x64xf32, #tpu.memory_space<vmem>> -> memref<1x50x64xf32, #tpu.memory_space<vmem>>
      %dma_start3A_859 = tpu.memref_squeeze %dma_start3A_858 : memref<1x50x64xf32, #tpu.memory_space<vmem>> -> memref<50x64xf32, #tpu.memory_space<vmem>>
      %dma_start3A_860 = arith.constant 0 : i32
      %dma_start3A_861 = tpu.memref_slice %arg5[%add3A_854, %dma_start3A_860] : memref<512x50xi32, #tpu.memory_space<vmem>> -> memref<1x50xi32, #tpu.memory_space<vmem>>
      %dma_start3A_862 = tpu.memref_squeeze %dma_start3A_861 : memref<1x50xi32, #tpu.memory_space<vmem>> -> memref<50xi32, #tpu.memory_space<vmem>>
      %dma_start3A_863 = arith.constant 0 : i32
      %dma_start3A_864 = arith.constant 0 : i32
      %dma_start3A_865 = tpu.memref_slice %arg2[%dma_start3A_863, %dma_start3A_864] : memref<1000000x64xf32, #tpu.memory_space<hbm>> -> memref<1000000x64xf32, #tpu.memory_space<hbm>>
      tpu.enqueue_indirect_dma source(%dma_start3A_865 : memref<1000000x64xf32, #tpu.memory_space<hbm>>) target(%dma_start3A_859 : memref<50x64xf32, #tpu.memory_space<vmem>>) offsets(%dma_start3A_862 : memref<50xi32, #tpu.memory_space<vmem>>) semaphore(%arg9 : memref<!tpu.dma_semaphore, #tpu.memory_space<semaphore_mem>>)
      %mul3A_866 = arith.constant 16 : i32
      %mul3A_867 = arith.muli %add3A_730, %mul3A_866 : i32
      %add3A_868 = arith.constant 9 : i32
      %add3A_869 = arith.addi %mul3A_867, %add3A_868 : i32
      %dma_start3A_870 = arith.constant 9 : i32
      %dma_start3A_871 = arith.constant 0 : i32
      %dma_start3A_872 = arith.constant 0 : i32
      %dma_start3A_873 = tpu.memref_slice %arg7[%dma_start3A_870, %dma_start3A_871, %dma_start3A_872] : memref<16x50x64xf32, #tpu.memory_space<vmem>> -> memref<1x50x64xf32, #tpu.memory_space<vmem>>
      %dma_start3A_874 = tpu.memref_squeeze %dma_start3A_873 : memref<1x50x64xf32, #tpu.memory_space<vmem>> -> memref<50x64xf32, #tpu.memory_space<vmem>>
      %dma_start3A_875 = arith.constant 0 : i32
      %dma_start3A_876 = tpu.memref_slice %arg5[%add3A_869, %dma_start3A_875] : memref<512x50xi32, #tpu.memory_space<vmem>> -> memref<1x50xi32, #tpu.memory_space<vmem>>
      %dma_start3A_877 = tpu.memref_squeeze %dma_start3A_876 : memref<1x50xi32, #tpu.memory_space<vmem>> -> memref<50xi32, #tpu.memory_space<vmem>>
      %dma_start3A_878 = arith.constant 0 : i32
      %dma_start3A_879 = arith.constant 0 : i32
      %dma_start3A_880 = tpu.memref_slice %arg2[%dma_start3A_878, %dma_start3A_879] : memref<1000000x64xf32, #tpu.memory_space<hbm>> -> memref<1000000x64xf32, #tpu.memory_space<hbm>>
      tpu.enqueue_indirect_dma source(%dma_start3A_880 : memref<1000000x64xf32, #tpu.memory_space<hbm>>) target(%dma_start3A_874 : memref<50x64xf32, #tpu.memory_space<vmem>>) offsets(%dma_start3A_877 : memref<50xi32, #tpu.memory_space<vmem>>) semaphore(%arg9 : memref<!tpu.dma_semaphore, #tpu.memory_space<semaphore_mem>>)
      %mul3A_881 = arith.constant 16 : i32
      %mul3A_882 = arith.muli %add3A_730, %mul3A_881 : i32
      %add3A_883 = arith.constant 10 : i32
      %add3A_884 = arith.addi %mul3A_882, %add3A_883 : i32
      %dma_start3A_885 = arith.constant 10 : i32
      %dma_start3A_886 = arith.constant 0 : i32
      %dma_start3A_887 = arith.constant 0 : i32
      %dma_start3A_888 = tpu.memref_slice %arg7[%dma_start3A_885, %dma_start3A_886, %dma_start3A_887] : memref<16x50x64xf32, #tpu.memory_space<vmem>> -> memref<1x50x64xf32, #tpu.memory_space<vmem>>
      %dma_start3A_889 = tpu.memref_squeeze %dma_start3A_888 : memref<1x50x64xf32, #tpu.memory_space<vmem>> -> memref<50x64xf32, #tpu.memory_space<vmem>>
      %dma_start3A_890 = arith.constant 0 : i32
      %dma_start3A_891 = tpu.memref_slice %arg5[%add3A_884, %dma_start3A_890] : memref<512x50xi32, #tpu.memory_space<vmem>> -> memref<1x50xi32, #tpu.memory_space<vmem>>
      %dma_start3A_892 = tpu.memref_squeeze %dma_start3A_891 : memref<1x50xi32, #tpu.memory_space<vmem>> -> memref<50xi32, #tpu.memory_space<vmem>>
      %dma_start3A_893 = arith.constant 0 : i32
      %dma_start3A_894 = arith.constant 0 : i32
      %dma_start3A_895 = tpu.memref_slice %arg2[%dma_start3A_893, %dma_start3A_894] : memref<1000000x64xf32, #tpu.memory_space<hbm>> -> memref<1000000x64xf32, #tpu.memory_space<hbm>>
      tpu.enqueue_indirect_dma source(%dma_start3A_895 : memref<1000000x64xf32, #tpu.memory_space<hbm>>) target(%dma_start3A_889 : memref<50x64xf32, #tpu.memory_space<vmem>>) offsets(%dma_start3A_892 : memref<50xi32, #tpu.memory_space<vmem>>) semaphore(%arg9 : memref<!tpu.dma_semaphore, #tpu.memory_space<semaphore_mem>>)
      %mul3A_896 = arith.constant 16 : i32
      %mul3A_897 = arith.muli %add3A_730, %mul3A_896 : i32
      %add3A_898 = arith.constant 11 : i32
      %add3A_899 = arith.addi %mul3A_897, %add3A_898 : i32
      %dma_start3A_900 = arith.constant 11 : i32
      %dma_start3A_901 = arith.constant 0 : i32
      %dma_start3A_902 = arith.constant 0 : i32
      %dma_start3A_903 = tpu.memref_slice %arg7[%dma_start3A_900, %dma_start3A_901, %dma_start3A_902] : memref<16x50x64xf32, #tpu.memory_space<vmem>> -> memref<1x50x64xf32, #tpu.memory_space<vmem>>
      %dma_start3A_904 = tpu.memref_squeeze %dma_start3A_903 : memref<1x50x64xf32, #tpu.memory_space<vmem>> -> memref<50x64xf32, #tpu.memory_space<vmem>>
      %dma_start3A_905 = arith.constant 0 : i32
      %dma_start3A_906 = tpu.memref_slice %arg5[%add3A_899, %dma_start3A_905] : memref<512x50xi32, #tpu.memory_space<vmem>> -> memref<1x50xi32, #tpu.memory_space<vmem>>
      %dma_start3A_907 = tpu.memref_squeeze %dma_start3A_906 : memref<1x50xi32, #tpu.memory_space<vmem>> -> memref<50xi32, #tpu.memory_space<vmem>>
      %dma_start3A_908 = arith.constant 0 : i32
      %dma_start3A_909 = arith.constant 0 : i32
      %dma_start3A_910 = tpu.memref_slice %arg2[%dma_start3A_908, %dma_start3A_909] : memref<1000000x64xf32, #tpu.memory_space<hbm>> -> memref<1000000x64xf32, #tpu.memory_space<hbm>>
      tpu.enqueue_indirect_dma source(%dma_start3A_910 : memref<1000000x64xf32, #tpu.memory_space<hbm>>) target(%dma_start3A_904 : memref<50x64xf32, #tpu.memory_space<vmem>>) offsets(%dma_start3A_907 : memref<50xi32, #tpu.memory_space<vmem>>) semaphore(%arg9 : memref<!tpu.dma_semaphore, #tpu.memory_space<semaphore_mem>>)
      %mul3A_911 = arith.constant 16 : i32
      %mul3A_912 = arith.muli %add3A_730, %mul3A_911 : i32
      %add3A_913 = arith.constant 12 : i32
      %add3A_914 = arith.addi %mul3A_912, %add3A_913 : i32
      %dma_start3A_915 = arith.constant 12 : i32
      %dma_start3A_916 = arith.constant 0 : i32
      %dma_start3A_917 = arith.constant 0 : i32
      %dma_start3A_918 = tpu.memref_slice %arg7[%dma_start3A_915, %dma_start3A_916, %dma_start3A_917] : memref<16x50x64xf32, #tpu.memory_space<vmem>> -> memref<1x50x64xf32, #tpu.memory_space<vmem>>
      %dma_start3A_919 = tpu.memref_squeeze %dma_start3A_918 : memref<1x50x64xf32, #tpu.memory_space<vmem>> -> memref<50x64xf32, #tpu.memory_space<vmem>>
      %dma_start3A_920 = arith.constant 0 : i32
      %dma_start3A_921 = tpu.memref_slice %arg5[%add3A_914, %dma_start3A_920] : memref<512x50xi32, #tpu.memory_space<vmem>> -> memref<1x50xi32, #tpu.memory_space<vmem>>
      %dma_start3A_922 = tpu.memref_squeeze %dma_start3A_921 : memref<1x50xi32, #tpu.memory_space<vmem>> -> memref<50xi32, #tpu.memory_space<vmem>>
      %dma_start3A_923 = arith.constant 0 : i32
      %dma_start3A_924 = arith.constant 0 : i32
      %dma_start3A_925 = tpu.memref_slice %arg2[%dma_start3A_923, %dma_start3A_924] : memref<1000000x64xf32, #tpu.memory_space<hbm>> -> memref<1000000x64xf32, #tpu.memory_space<hbm>>
      tpu.enqueue_indirect_dma source(%dma_start3A_925 : memref<1000000x64xf32, #tpu.memory_space<hbm>>) target(%dma_start3A_919 : memref<50x64xf32, #tpu.memory_space<vmem>>) offsets(%dma_start3A_922 : memref<50xi32, #tpu.memory_space<vmem>>) semaphore(%arg9 : memref<!tpu.dma_semaphore, #tpu.memory_space<semaphore_mem>>)
      %mul3A_926 = arith.constant 16 : i32
      %mul3A_927 = arith.muli %add3A_730, %mul3A_926 : i32
      %add3A_928 = arith.constant 13 : i32
      %add3A_929 = arith.addi %mul3A_927, %add3A_928 : i32
      %dma_start3A_930 = arith.constant 13 : i32
      %dma_start3A_931 = arith.constant 0 : i32
      %dma_start3A_932 = arith.constant 0 : i32
      %dma_start3A_933 = tpu.memref_slice %arg7[%dma_start3A_930, %dma_start3A_931, %dma_start3A_932] : memref<16x50x64xf32, #tpu.memory_space<vmem>> -> memref<1x50x64xf32, #tpu.memory_space<vmem>>
      %dma_start3A_934 = tpu.memref_squeeze %dma_start3A_933 : memref<1x50x64xf32, #tpu.memory_space<vmem>> -> memref<50x64xf32, #tpu.memory_space<vmem>>
      %dma_start3A_935 = arith.constant 0 : i32
      %dma_start3A_936 = tpu.memref_slice %arg5[%add3A_929, %dma_start3A_935] : memref<512x50xi32, #tpu.memory_space<vmem>> -> memref<1x50xi32, #tpu.memory_space<vmem>>
      %dma_start3A_937 = tpu.memref_squeeze %dma_start3A_936 : memref<1x50xi32, #tpu.memory_space<vmem>> -> memref<50xi32, #tpu.memory_space<vmem>>
      %dma_start3A_938 = arith.constant 0 : i32
      %dma_start3A_939 = arith.constant 0 : i32
      %dma_start3A_940 = tpu.memref_slice %arg2[%dma_start3A_938, %dma_start3A_939] : memref<1000000x64xf32, #tpu.memory_space<hbm>> -> memref<1000000x64xf32, #tpu.memory_space<hbm>>
      tpu.enqueue_indirect_dma source(%dma_start3A_940 : memref<1000000x64xf32, #tpu.memory_space<hbm>>) target(%dma_start3A_934 : memref<50x64xf32, #tpu.memory_space<vmem>>) offsets(%dma_start3A_937 : memref<50xi32, #tpu.memory_space<vmem>>) semaphore(%arg9 : memref<!tpu.dma_semaphore, #tpu.memory_space<semaphore_mem>>)
      %mul3A_941 = arith.constant 16 : i32
      %mul3A_942 = arith.muli %add3A_730, %mul3A_941 : i32
      %add3A_943 = arith.constant 14 : i32
      %add3A_944 = arith.addi %mul3A_942, %add3A_943 : i32
      %dma_start3A_945 = arith.constant 14 : i32
      %dma_start3A_946 = arith.constant 0 : i32
      %dma_start3A_947 = arith.constant 0 : i32
      %dma_start3A_948 = tpu.memref_slice %arg7[%dma_start3A_945, %dma_start3A_946, %dma_start3A_947] : memref<16x50x64xf32, #tpu.memory_space<vmem>> -> memref<1x50x64xf32, #tpu.memory_space<vmem>>
      %dma_start3A_949 = tpu.memref_squeeze %dma_start3A_948 : memref<1x50x64xf32, #tpu.memory_space<vmem>> -> memref<50x64xf32, #tpu.memory_space<vmem>>
      %dma_start3A_950 = arith.constant 0 : i32
      %dma_start3A_951 = tpu.memref_slice %arg5[%add3A_944, %dma_start3A_950] : memref<512x50xi32, #tpu.memory_space<vmem>> -> memref<1x50xi32, #tpu.memory_space<vmem>>
      %dma_start3A_952 = tpu.memref_squeeze %dma_start3A_951 : memref<1x50xi32, #tpu.memory_space<vmem>> -> memref<50xi32, #tpu.memory_space<vmem>>
      %dma_start3A_953 = arith.constant 0 : i32
      %dma_start3A_954 = arith.constant 0 : i32
      %dma_start3A_955 = tpu.memref_slice %arg2[%dma_start3A_953, %dma_start3A_954] : memref<1000000x64xf32, #tpu.memory_space<hbm>> -> memref<1000000x64xf32, #tpu.memory_space<hbm>>
      tpu.enqueue_indirect_dma source(%dma_start3A_955 : memref<1000000x64xf32, #tpu.memory_space<hbm>>) target(%dma_start3A_949 : memref<50x64xf32, #tpu.memory_space<vmem>>) offsets(%dma_start3A_952 : memref<50xi32, #tpu.memory_space<vmem>>) semaphore(%arg9 : memref<!tpu.dma_semaphore, #tpu.memory_space<semaphore_mem>>)
      %mul3A_956 = arith.constant 16 : i32
      %mul3A_957 = arith.muli %add3A_730, %mul3A_956 : i32
      %add3A_958 = arith.constant 15 : i32
      %add3A_959 = arith.addi %mul3A_957, %add3A_958 : i32
      %dma_start3A_960 = arith.constant 15 : i32
      %dma_start3A_961 = arith.constant 0 : i32
      %dma_start3A_962 = arith.constant 0 : i32
      %dma_start3A_963 = tpu.memref_slice %arg7[%dma_start3A_960, %dma_start3A_961, %dma_start3A_962] : memref<16x50x64xf32, #tpu.memory_space<vmem>> -> memref<1x50x64xf32, #tpu.memory_space<vmem>>
      %dma_start3A_964 = tpu.memref_squeeze %dma_start3A_963 : memref<1x50x64xf32, #tpu.memory_space<vmem>> -> memref<50x64xf32, #tpu.memory_space<vmem>>
      %dma_start3A_965 = arith.constant 0 : i32
      %dma_start3A_966 = tpu.memref_slice %arg5[%add3A_959, %dma_start3A_965] : memref<512x50xi32, #tpu.memory_space<vmem>> -> memref<1x50xi32, #tpu.memory_space<vmem>>
      %dma_start3A_967 = tpu.memref_squeeze %dma_start3A_966 : memref<1x50xi32, #tpu.memory_space<vmem>> -> memref<50xi32, #tpu.memory_space<vmem>>
      %dma_start3A_968 = arith.constant 0 : i32
      %dma_start3A_969 = arith.constant 0 : i32
      %dma_start3A_970 = tpu.memref_slice %arg2[%dma_start3A_968, %dma_start3A_969] : memref<1000000x64xf32, #tpu.memory_space<hbm>> -> memref<1000000x64xf32, #tpu.memory_space<hbm>>
      tpu.enqueue_indirect_dma source(%dma_start3A_970 : memref<1000000x64xf32, #tpu.memory_space<hbm>>) target(%dma_start3A_964 : memref<50x64xf32, #tpu.memory_space<vmem>>) offsets(%dma_start3A_967 : memref<50xi32, #tpu.memory_space<vmem>>) semaphore(%arg9 : memref<!tpu.dma_semaphore, #tpu.memory_space<semaphore_mem>>)
      %scan3A_971 = arith.constant 0 : i32
      scf.yield %scan3A_971 : i32
    }
    %scan3A_404 = arith.constant 15 : i32
    %dma_wait3A_405 = arith.constant 0 : i32
    %dma_wait3A_406 = arith.constant 0 : i32
    %dma_wait3A_407 = tpu.memref_slice %arg4[%mul3A_2, %dma_wait3A_405, %dma_wait3A_406] : memref<16384x50x64xf32, #tpu.memory_space<hbm>> -> memref<16x50x64xf32, #tpu.memory_space<hbm>>
    %dma_wait3A_408 = arith.constant 0 : i32
    %dma_wait3A_409 = arith.constant 0 : i32
    %dma_wait3A_410 = tpu.memref_slice %arg4[%mul3A_2, %dma_wait3A_408, %dma_wait3A_409] : memref<16384x50x64xf32, #tpu.memory_space<hbm>> -> memref<16x50x64xf32, #tpu.memory_space<hbm>>
    tpu.wait_dma2 semaphore(%arg9 : memref<!tpu.dma_semaphore, #tpu.memory_space<semaphore_mem>>) src(%dma_wait3A_410 : memref<16x50x64xf32, #tpu.memory_space<hbm>>) dst(%arg7 : memref<16x50x64xf32, #tpu.memory_space<vmem>>)
    %add3A_411 = arith.constant 496 : i32
    %add3A_412 = arith.addi %mul3A_2, %add3A_411 : i32
    %dma_start3A_413 = arith.constant 0 : i32
    %dma_start3A_414 = arith.constant 0 : i32
    %dma_start3A_415 = tpu.memref_slice %arg4[%add3A_412, %dma_start3A_413, %dma_start3A_414] : memref<16384x50x64xf32, #tpu.memory_space<hbm>> -> memref<16x50x64xf32, #tpu.memory_space<hbm>>
    %dma_start3A_416 = arith.constant 0 : i32
    %dma_start3A_417 = arith.constant 0 : i32
    %dma_start3A_418 = tpu.memref_slice %arg4[%add3A_412, %dma_start3A_416, %dma_start3A_417] : memref<16384x50x64xf32, #tpu.memory_space<hbm>> -> memref<16x50x64xf32, #tpu.memory_space<hbm>>
    tpu.enqueue_dma source(%arg7 : memref<16x50x64xf32, #tpu.memory_space<vmem>>) target(%dma_start3A_418 : memref<16x50x64xf32, #tpu.memory_space<hbm>>) target_semaphore(%arg11 : memref<!tpu.dma_semaphore, #tpu.memory_space<semaphore_mem>>)
    %dma_wait3A_419 = arith.constant 0 : i32
    %dma_wait3A_420 = arith.constant 0 : i32
    %dma_wait3A_421 = tpu.memref_slice %arg4[%mul3A_2, %dma_wait3A_419, %dma_wait3A_420] : memref<16384x50x64xf32, #tpu.memory_space<hbm>> -> memref<16x50x64xf32, #tpu.memory_space<hbm>>
    %dma_wait3A_422 = arith.constant 0 : i32
    %dma_wait3A_423 = arith.constant 0 : i32
    %dma_wait3A_424 = tpu.memref_slice %arg4[%mul3A_2, %dma_wait3A_422, %dma_wait3A_423] : memref<16384x50x64xf32, #tpu.memory_space<hbm>> -> memref<16x50x64xf32, #tpu.memory_space<hbm>>
    tpu.wait_dma2 semaphore(%arg10 : memref<!tpu.dma_semaphore, #tpu.memory_space<semaphore_mem>>) src(%arg6 : memref<16x50x64xf32, #tpu.memory_space<vmem>>) dst(%dma_wait3A_424 : memref<16x50x64xf32, #tpu.memory_space<hbm>>)
    %dma_wait3A_425 = arith.constant 0 : i32
    %dma_wait3A_426 = arith.constant 0 : i32
    %dma_wait3A_427 = tpu.memref_slice %arg4[%mul3A_2, %dma_wait3A_425, %dma_wait3A_426] : memref<16384x50x64xf32, #tpu.memory_space<hbm>> -> memref<16x50x64xf32, #tpu.memory_space<hbm>>
    %dma_wait3A_428 = arith.constant 0 : i32
    %dma_wait3A_429 = arith.constant 0 : i32
    %dma_wait3A_430 = tpu.memref_slice %arg4[%mul3A_2, %dma_wait3A_428, %dma_wait3A_429] : memref<16384x50x64xf32, #tpu.memory_space<hbm>> -> memref<16x50x64xf32, #tpu.memory_space<hbm>>
    tpu.wait_dma2 semaphore(%arg11 : memref<!tpu.dma_semaphore, #tpu.memory_space<semaphore_mem>>) src(%arg7 : memref<16x50x64xf32, #tpu.memory_space<vmem>>) dst(%dma_wait3A_430 : memref<16x50x64xf32, #tpu.memory_space<hbm>>)
    return
  }
}

</mosaic_0001>

<sc_bundles>
// kernel: kernel.3.cloned.1.call-start
scs
__scs_entry_jumppad:
0x0: {  	(pc) =	sbr.rel $0x88, $3  }
0x1: {  	(tag) =	ssettag $0x0;
	lr =	simm.s32 $0x1  }
0x2: {  	[smem:$0x3F9F] =	sst lr;
	_ =	strace $0xD0000000  }
0x3: {  	_ = 	snop  }
0x4: {  	_ = 	snop  }
0x5: {  	_ = 	snop  }
0x6: {  	_ = 	snop  }
0x7: {  	_ = 	snop  }
__scs_overlays_trampoline_lowered:
0x8: {  	[smem:$0x3FAE] =	sst s0  }
0x9: {  	[smem:$0x3FAF] =	sst s1  }
0xa: {  	[smem:$0x3FB0] =	sst s2  }
0xb: {  	[smem:$0x3FB1] =	sst s3  }
0xc: {  	[smem:$0x3FB2] =	sst s4  }
0xd: {  	[smem:$0x3FB3] =	sst s5  }
0xe: {  	[smem:$0x3FB4] =	sst s6  }
0xf: {  	[smem:$0x3FB5] =	sst s7  }
0x10: {  	[smem:$0x3FB6] =	sst s8  }
0x11: {  	[smem:$0x3FB7] =	sst s9;
	s0 =	simm.s32 @!p0 $0x0  }
0x12: {  	s1 =	sld [smem:$0x3F9D];
	s0 =	simm.s32 @p0 $0x1  }
0x13: {  	[smem:$0x3FB8] =	sst s0;
	s0 =	simm.s32 @!p1 $0x0  }
0x14: {  	s2 =	sld [smem:$0x3F9C];
	s0 =	simm.s32 @p1 $0x1  }
0x15: {  	[smem:$0x3FB9] =	sst s0;
	s0 =	simm.s32 @!p2 $0x0  }
0x16: {  	s3 =	sld [smem:$0x3FDB];
	s0 =	simm.s32 @p2 $0x1  }
0x17: {  	s4 =	simm.s32 $0x1BF5;
	[smem:$0x3FBB] =	sst s0  }
0x18: {  	s0 =	sld [smem:$0x3F9E];
	_ =	swait.ge [sflag:s4], $0x0  }
0x19: {  	s7 =	sld [smem:$0x3F9F]  }
0x1a: {  	s8 =	sadd.s32 $0xFFFFE003, lr  }
0x1b: {  	s9 =	sadd.s32 $0xFFFFFEF7, lr;
	s5 =	simm.s32 $0xFFFFFFFF;
	p2 =	slt.u32 s8, $0xFFFFF086  }
0x1c: {  	p1 =	slt.u32 s9, $0xF7A;
	s5 =	simm.s32 @!p2 $0x0  }
0x1d: {  	s5 =	simm.s32 @p1 $0x1;
	p0 =	seq.s32 s7, s2  }
0x1e: {  	s7 =	smul.u32 @!p0 $0xF7A, s2;
	p2 =	seq.s32 @!p0 s5, $0x0  }
0x1f: {  	s9 =	smul.u32 $0xF7A, s1;
	s8 =	simm.s32 @!p0 $0x1BF5;
	p2 =	por !p2, p0  }
0x20: {  	[sflag:s8] =	ssyncset.s32 @!p0 $0xFFFFF086;
	s6 =	sadd.s32 @!p0 s3, s7;
	s7 =	simm.s32 @!p0 $0x108  }
0x21: {  	s3 =	sadd.s32 s3, s9;
	s6 =	sadd.s32 @!p0 $0x88, s6;
	s7 =	simm.s32 @p2 $0x1082  }
0x22: {  	[simem:s7], [sflag:s8] =	dma.local @!p0 [hbm:s6], $0xF7A  }
0x23: {  	s9 =	sor.u32 $0xD0000000, s2;
	s6 =	simm.s32 $0x108;
	_ =	swait.ge @!p0 [sflag:s8], $0x0  }
0x24: {  	s3 =	sadd.s32 $0x88, s3;
	s6 =	simm.s32 @!p1 $0x1082;
	[sflag:s4] =	ssyncset.s32 $0xFFFFF086  }
0x25: {  	[simem:s6], [sflag:s4] =	dma.local [hbm:s3], $0xF7A  }
0x26: {  	[smem:$0x3F9F] =	sst s1;
	(tag) =	ssettag s2;
	_ =	strace s9  }
0x27: {  	s1 =	sld [smem:$0x3FAF]  }
0x28: {  	s2 =	sld [smem:$0x3FB0]  }
0x29: {  	s4 =	sld [smem:$0x3FB2]  }
0x2a: {  	p0 =	seq.s32 s5, $0x0;
	s5 =	sld [smem:$0x3FB3]  }
0x2b: {  	s6 =	sld [smem:$0x3FB4]  }
0x2c: {  	s7 =	sld [smem:$0x3FB5]  }
0x2d: {  	s3 =	simm.s32 $0x108;
	s8 =	sld [smem:$0x3FB6]  }
0x2e: {  	s3 =	simm.s32 @!p0 $0x1082;
	s9 =	sld [smem:$0x3FB7]  }
0x2f: {  	lr =	sadd.s32 s0, s3;
	s0 =	sld [smem:$0x3FAE]  }
0x30: {  	s3 =	sld [smem:$0x3FB1]  }
0x31: {  	[smem:$0x3FBA] =	sst s10  }
0x32: {  	s10 =	sld [smem:$0x3FB8];
	_ =	sdelay $0x3  }
0x33: {  	p0 =	seq.s32 s10, $0x1;
	s10 =	sld [smem:$0x3FBA];
	_ =	sdelay $0x3  }
0x34: {  	[smem:$0x3FBA] =	sst s10  }
0x35: {  	s10 =	sld [smem:$0x3FB9];
	_ =	sdelay $0x3  }
0x36: {  	p1 =	seq.s32 s10, $0x1;
	s10 =	sld [smem:$0x3FBA];
	_ =	sdelay $0x3  }
0x37: {  	[smem:$0x3FBA] =	sst s10  }
0x38: {  	s10 =	sld [smem:$0x3FBB]  }
0x39: {  	_ = 	snop;
	(pc) =	sbr.ind lr, $3  }
0x3a: {  	_ = 	snop  }
0x3b: {  	_ = 	snop  }
0x3c: {  	p2 =	seq.s32 s10, $0x1;
	s10 =	sld [smem:$0x3FBA]  }
0x3d: {  	_ =	shalt  }
0x3e: {  	_ =	shalt  }
0x3f: {  	_ =	shalt  }
0x40: {  	_ =	shalt  }
0x41: {  	_ =	shalt  }
0x42: {  	_ =	shalt  }
0x43: {  	_ =	shalt  }
0x44: {  	_ =	shalt  }
0x45: {  	_ =	shalt  }
0x46: {  	_ =	shalt  }
0x47: {  	_ =	shalt  }
0x48: {  	_ =	shalt  }
0x49: {  	_ =	shalt  }
0x4a: {  	_ =	shalt  }
0x4b: {  	_ =	shalt  }
0x4c: {  	_ =	shalt  }
0x4d: {  	_ =	shalt  }
0x4e: {  	_ =	shalt  }
0x4f: {  	_ =	shalt  }
0x50: {  	_ =	shalt  }
0x51: {  	_ =	shalt  }
0x52: {  	_ =	shalt  }
0x53: {  	_ =	shalt  }
0x54: {  	_ =	shalt  }
0x55: {  	_ =	shalt  }
0x56: {  	_ =	shalt  }
0x57: {  	_ =	shalt  }
0x58: {  	_ =	shalt  }
0x59: {  	_ =	shalt  }
0x5a: {  	_ =	shalt  }
0x5b: {  	_ =	shalt  }
0x5c: {  	_ =	shalt  }
0x5d: {  	_ =	shalt  }
0x5e: {  	_ =	shalt  }
0x5f: {  	_ =	shalt  }
0x60: {  	_ =	shalt  }
0x61: {  	_ =	shalt  }
0x62: {  	_ =	shalt  }
0x63: {  	_ =	shalt  }
0x64: {  	_ =	shalt  }
0x65: {  	_ =	shalt  }
0x66: {  	_ =	shalt  }
0x67: {  	_ =	shalt  }
0x68: {  	_ =	shalt  }
0x69: {  	_ =	shalt  }
0x6a: {  	_ =	shalt  }
0x6b: {  	_ =	shalt  }
0x6c: {  	_ =	shalt  }
0x6d: {  	_ =	shalt  }
0x6e: {  	_ =	shalt  }
0x6f: {  	_ =	shalt  }
0x70: {  	_ =	shalt  }
0x71: {  	_ =	shalt  }
0x72: {  	_ =	shalt  }
0x73: {  	_ =	shalt  }
0x74: {  	_ =	shalt  }
0x75: {  	_ =	shalt  }
0x76: {  	_ =	shalt  }
0x77: {  	_ =	shalt  }
0x78: {  	_ =	shalt  }
0x79: {  	_ =	shalt  }
0x7a: {  	_ =	shalt  }
0x7b: {  	_ =	shalt  }
0x7c: {  	_ =	shalt  }
0x7d: {  	_ =	shalt  }
0x7e: {  	_ =	shalt  }
0x7f: {  	_ =	shalt  }
0x80: {  	_ =	shalt  }
0x81: {  	_ =	shalt  }
0x82: {  	_ =	shalt  }
0x83: {  	_ =	shalt  }
0x84: {  	_ =	shalt  }
0x85: {  	_ =	shalt  }
0x86: {  	_ =	shalt  }
0x87: {  	_ =	shalt  }
.Lfunc_end0:
.L_simem_size_0:
called_computation.1_lowered:
.L_overlay_start_0:
0x88: {  	s2 =	sld [smem:$0x3FD9]  }
0x89: {  	s3 =	sld [smem:$0x3FFE];
	_ =	sdelay $0x1  }
0x8a: {  	s1 =	srdreg.scid  }
0x8b: {  	s0 =	sand.u32 $0x1, s1  }
0x8c: {  	s17 =	sshll.u32 s0, $0xA;
	s2 =	sadd.s32 s3, s2  }
0x8d: {  	s2 =	sadd.s32 s2, s17  }
0x8e: {  	[smem:$0x3FC6] =	sst s2  }
0x8f: {  	_ = 	snop  }
0x90: {  	s2 =	sld [smem:$0x3FD0];
	(tm) =	ssettm $0x1  }
0x91: {  	s18 =	sld [smem:$0x3FFB];
	_ =	sdelay $0x3  }
0x92: {  	_ =	strace s18  }
0x93: {  	s3 =	sld [smem:$0x3FFC];
	_ =	sdelay $0x3  }
0x94: {  	_ =	strace s3  }
0x95: {  	s3 =	sld [smem:$0x3FFD];
	_ =	sdelay $0x3  }
0x96: {  	_ =	strace s3  }
0x97: {  	_ =	strace $0x8FFFFFFF  }
0x98: {  	s19 =	sld [smem:$0x3FDB];
	_ =	sdelay $0x1  }
0x99: {  	s4 =	simm.s32 $_scs_section_size  }
0x9a: {  	s5 =	simm.s32 $_size__tile_overlayer_lowered;
	s6 =	simm.s32 $_tile_overlayer_lowered  }
0x9b: {  	s22 =	simm.s32 $0x1BFF;
	s21 =	sshll.u32 s6, $0x1;
	s3 =	sadd.s32 s4, s19  }
0x9c: {  	s7 =	simm.s32 $0x0;
	s20 =	sshll.u32 s5, $0x1;
	s5 =	sadd.s32 s21, s3  }
0x9d: {  	[timem:s7], [sflag:s22] =	dma.local [hbm:s5], s20  }
0x9e: {  	_ =	swait.ge [sflag:s22], s20  }
0x9f: {  	s4 =	ssub.s32 $0x0, s20;
	[sflag:s22] =	ssyncset.done $0x0  }
0xa0: {  	[sflag:s22] =	ssyncadd.s32 s4;
	_ =	sdelay $0x1  }
0xa1: {  	s23 =	simm.s32 $0x1B8B  }
0xa2: {  	_ =	swait.ge [sflag:s23], $0x1  }
0xa3: {  	[sflag:s23] =	ssyncset.done $0x0  }
0xa4: {  	s25 =	simm.s32 $0x1B8E;
	s24 =	sld [smem:$0x3FFE];
	[sflag:s23] =	ssyncadd.s32 $0xFFFFFFFF  }
0xa5: {  	s26 =	simm.s32 $execute0_lowered;
	[smem:$0x3FD2] =	sst s25  }
0xa6: {  	s5 =	sshll.u32 s26, $0x1;
	_ =	strace $0x80000046;
	[dreg:$0x1] =	wrdreg $0xFFFFFFFF  }
0xa7: {  	s28 =	simm.s32 $_size_execute0_lowered;
	s3 =	sadd.s32 s3, s5;
	[dreg:$0x0] =	wrdreg $0x0  }
0xa8: {  	s5 =	sshll.u32 s28, $0x1;
	[dreg:$0x2] =	wrdreg s3  }
0xa9: {  	[dreg:$0x3] =	wrdreg s5  }
0xaa: {  	[dreg:$0x4] =	wrdreg $0xC0  }
0xab: {  	_ =	task [dreg:s7], $0x5FFFF  }
0xac: {  	[dreg:$0x1] =	wrdreg $0xFFFFFFFF  }
0xad: {  	[dreg:$0x0] =	wrdreg $0x60  }
0xae: {  	[dreg:$0x2] =	wrdreg s24  }
0xaf: {  	[dreg:$0x3] =	wrdreg s2  }
0xb0: {  	[dreg:$0x4] =	wrdreg $0x9  }
0xb1: {  	_ =	task.clear_ibuf [dreg:s7], $0x5FFFF;
	_ =	strace $0x90000046  }
0xb2: {  	s29 =	simm.s32 $0x9;
	_ =	strace $0x80000048  }
0xb3: {  	_ =	swait.ge [sflag:s29], $0x1  }
0xb4: {  	[sflag:s29] =	ssyncadd.s32 $0xFFFFFFFF  }
0xb5: {  	_ =	strace $0x90000048  }
0xb6: {  	_ =	sfence  }
0xb7: {  	s30 =	sld [smem:$0x0];
	_ =	sdelay $0x2  }
0xb8: {  	s31 =	sshll.u32 s1, $0xD;
	s1 =	sshrl.u32 s1, $0x2  }
0xb9: {  	s3 =	sand.u32 $0x4000, s31;
	s1 =	sadd.s32 s1, s30  }
0xba: {  	s0 =	sor.u32 s3, s0;
	s1 =	sshll.u32 s1, $0x11  }
0xbb: {  	s0 =	sor.u32 s1, s0  }
0xbc: {  	s0 =	sadd.s32 $0x8F2B, s0  }
0xbd: {  	[sflag:s0] =	ssyncadd.remote.s32 $0x1  }
0xbe: {  	_ =	sfence.sel $0xFFFF  }
0xbf: {  	[dreg:$0x0] =	wrdreg $0xFFFFFFFF;
	(pc) =	sbr.abs _section_cstart, $3  }
0xc0: {  	[dreg:$0x1] =	wrdreg $0xFFFFFFFF  }
0xc1: {  	_ =	task.clear_ibuf [dreg:s7], $0x2FFFF;
	_ =	strace $0x9FFFFFFF  }
0xc2: {  	(tm) =	ssettm $0x7FFFFFFF  }
0xc3: {  	_ =	shalt  }
tec
execute0_lowered:
.L_overlay_start_1:
0x0: {  	(tag) =	ssettag $0x1  }
0x1: {  	s0 =	srdreg.scid;
	s1 =	rddreg [dreg:$0x0]  }
0x2: {  	s9 =	stileid.u32;
	s4 =	rddreg [dreg:$0x1]  }
0x3: {  	s2 =	simm.s32 $0x0;
	s10 =	simm.s32 $0x32;
	s11 =	simm.s32 $0x7000  }
0x4: {  	s12 =	simm.s32 $0x7C80;
	s20 =	simm.s32 $0x8900;
	s22 =	simm.s32 $0xA200  }
0x5: {  	s18 =	simm.s32 $0xC780;
	s13 =	simm.s32 $0x11F00;
	s15 =	simm.s32 $0x12B80  }
0x6: {  	s31 =	simm.s32 $0x1;
	s14 =	simm.s32 $0x13800;
	s17 =	simm.s32 $0x14480  }
0x7: {  	s19 =	simm.s32 $0x15100;
	s21 =	simm.s32 $0x15D80;
	s30 =	simm.s32 $0x17680  }
0x8: {  	s16 =	simm.s32 $0x18300;
	s28 =	simm.s32 $0x4;
	s29 =	simm.s32 $0x0  }
0x9: {  	s0 =	sand.u32 $0x1, s0;
	s3 =	sshll.u32 s9, $0xA;
	[smem:$0x7FF] =	sst s2  }
0xa: {  	s9 =	smul.u32 $0x64000, s9;
	s2 =	simm.s32 $0x16A00;
	s5 =	sshll.u32 s0, $0x9  }
0xb: {  	s8 =	ssub.s32 $0x2, s0;
	s0 =	smul.u32 $0x32000, s0;
	s5 =	sor.u32 s5, s3  }
0xc: {  	_ =	strace $0x80000047;
	s3 =	sadd.s32 $0xF42E00, s1;
	s6 =	smul.u32 $0x7, s5  }
0xd: {  	s23 =	sshrl.u32 s8, $0x1;
	s25 =	sadd.s32 s9, s4;
	s7 =	smul.u32 $0x190, s5  }
0xe: {  	s9 =	simm.s32 $0x10600;
	s5 =	smul.u32 $0xC80, s5;
	s0 =	sadd.s32 s0, s25  }
0xf: {  	s25 =	simm.s32 $0x3;
	s0 =	sadd.s32 $0x3200, s0;
	s1 =	sadd.s32 s6, s1  }
0x10: {  	s6 =	ssub.s32 s8, s23;
	s5 =	sshrl.u32 s5, $0x3;
	[dreg:$0x7] =	wrdreg s0  }
0x11: {  	s0 =	simm.s32 $0xAE80;
	s8 =	simm.s32 $0x11280;
	s23 =	simm.s32 $0x2  }
0x12: {  	s1 =	sadd.s32 $0xA00, s1;
	s24 =	sadd.s32 s4, s5;
	s4 =	sadd.s32 s4, s7  }
0x13: {  	s26 =	smax.u32 s6, $0x1;
	s5 =	simm.s32 $0xE080;
	[dreg:$0x3] =	wrdreg s1  }
0x14: {  	s6 =	simm.s32 $0xED00;
	s7 =	simm.s32 $0xF980;
	[dreg:$0x4] =	wrdreg s4  }
0x15: {  	s1 =	sadd.s32 $0x30700, s24;
	[dreg:$0x6] =	wrdreg s26;
	s24 =	simm.s32 $0x9580  }
0x16: {  	s26 =	simm.s32 $0xBB00;
	s4 =	simm.s32 $0xD400;
	[dreg:$0x5] =	wrdreg s1  }
.LBB2_1:
0x17: {  	[dreg:$0x8] =	wrdreg s29  }
0x18: {  	s1 =	rddreg [dreg:$0x3];
	s29 =	simm.s32 $0x0  }
0x19: {  	[tilespmem:s29], [sflag:$0x5] =	stream.linear.gather [hbm4b:s1+s29], $0x7000, $0x38;
	v63 =	vld [tilespmem:$0x0]  }
0x1a: {  	s1 =	simm.s32 $0x5  }
0x1b: {  	_ =	swait.ge [sflag:s1], $0x7000  }
0x1c: {  	[sflag:s1] =	ssyncset.done $0x0  }
0x1d: {  	[sflag:s1] =	ssyncadd.s32 $0xFFFF9000  }
0x1e: {  	[tilespmem:s11], [sflag:$0x1] =	stream.indirect.gather [hbm4b:s3+s10], $0x40, s29, s10, $0xb8;
	v63 =	vld [tilespmem:$0x0]  }
0x1f: {  	s1 =	simm.s32 $0x38  }
0x20: {  	[tilespmem:s12], [sflag:$0x1] =	stream.indirect.gather [hbm4b:s3+s10], $0x40, s1, s10, $0xb8;
	v63 =	vld [tilespmem:$0x0]  }
0x21: {  	s1 =	simm.s32 $0x70  }
0x22: {  	[tilespmem:s20], [sflag:$0x1] =	stream.indirect.gather [hbm4b:s3+s10], $0x40, s1, s10, $0xb8;
	v63 =	vld [tilespmem:$0x0]  }
0x23: {  	s1 =	simm.s32 $0xA8  }
0x24: {  	[tilespmem:s24], [sflag:$0x1] =	stream.indirect.gather [hbm4b:s3+s10], $0x40, s1, s10, $0xb8;
	v63 =	vld [tilespmem:$0x0]  }
0x25: {  	s1 =	simm.s32 $0xE0  }
0x26: {  	[tilespmem:s22], [sflag:$0x1] =	stream.indirect.gather [hbm4b:s3+s10], $0x40, s1, s10, $0xb8;
	v63 =	vld [tilespmem:$0x0]  }
0x27: {  	s1 =	simm.s32 $0x118  }
0x28: {  	[tilespmem:s0], [sflag:$0x1] =	stream.indirect.gather [hbm4b:s3+s10], $0x40, s1, s10, $0xb8;
	v63 =	vld [tilespmem:$0x0]  }
0x29: {  	s1 =	simm.s32 $0x150  }
0x2a: {  	[tilespmem:s26], [sflag:$0x1] =	stream.indirect.gather [hbm4b:s3+s10], $0x40, s1, s10, $0xb8;
	v63 =	vld [tilespmem:$0x0]  }
0x2b: {  	s1 =	simm.s32 $0x188  }
0x2c: {  	[tilespmem:s18], [sflag:$0x1] =	stream.indirect.gather [hbm4b:s3+s10], $0x40, s1, s10, $0xb8;
	v63 =	vld [tilespmem:$0x0]  }
0x2d: {  	s1 =	simm.s32 $0x1C0  }
0x2e: {  	[tilespmem:s4], [sflag:$0x1] =	stream.indirect.gather [hbm4b:s3+s10], $0x40, s1, s10, $0xb8;
	v63 =	vld [tilespmem:$0x0]  }
0x2f: {  	s1 =	simm.s32 $0x1F8  }
0x30: {  	[tilespmem:s5], [sflag:$0x1] =	stream.indirect.gather [hbm4b:s3+s10], $0x40, s1, s10, $0xb8;
	v63 =	vld [tilespmem:$0x0]  }
0x31: {  	s1 =	simm.s32 $0x230  }
0x32: {  	[tilespmem:s6], [sflag:$0x1] =	stream.indirect.gather [hbm4b:s3+s10], $0x40, s1, s10, $0xb8;
	v63 =	vld [tilespmem:$0x0]  }
0x33: {  	s1 =	simm.s32 $0x268  }
0x34: {  	[tilespmem:s7], [sflag:$0x1] =	stream.indirect.gather [hbm4b:s3+s10], $0x40, s1, s10, $0xb8;
	v63 =	vld [tilespmem:$0x0]  }
0x35: {  	s1 =	simm.s32 $0x2A0  }
0x36: {  	[tilespmem:s9], [sflag:$0x1] =	stream.indirect.gather [hbm4b:s3+s10], $0x40, s1, s10, $0xb8;
	v63 =	vld [tilespmem:$0x0]  }
0x37: {  	s1 =	simm.s32 $0x2D8  }
0x38: {  	[tilespmem:s8], [sflag:$0x1] =	stream.indirect.gather [hbm4b:s3+s10], $0x40, s1, s10, $0xb8;
	v63 =	vld [tilespmem:$0x0]  }
0x39: {  	s1 =	simm.s32 $0x310  }
0x3a: {  	[tilespmem:s13], [sflag:$0x1] =	stream.indirect.gather [hbm4b:s3+s10], $0x40, s1, s10, $0xb8;
	v63 =	vld [tilespmem:$0x0]  }
0x3b: {  	s1 =	simm.s32 $0x348  }
0x3c: {  	[tilespmem:s15], [sflag:$0x1] =	stream.indirect.gather [hbm4b:s3+s10], $0x40, s1, s10, $0xb8;
	v63 =	vld [tilespmem:$0x0]  }
0x3d: {  	_ =	swait.ge [sflag:s31], $0xC800  }
0x3e: {  	[sflag:s31] =	ssyncset.done $0x0  }
0x3f: {  	s1 =	rddreg [dreg:$0x4];
	[sflag:s31] =	ssyncadd.s32 $0xFFFF3800  }
0x40: {  	[hbm4b:s1+s29] =	stream.linear.scatter [tilespmem:s11], [sflag:$0x3], $0xC800, $0x38;
	v63 =	vld [tilespmem:$0x0]  }
0x41: {  	s1 =	simm.s32 $0x380  }
0x42: {  	[tilespmem:s14], [sflag:$0x2] =	stream.indirect.gather [hbm4b:s3+s10], $0x40, s1, s10, $0xb8;
	v63 =	vld [tilespmem:$0x0]  }
0x43: {  	s1 =	simm.s32 $0x3B8  }
0x44: {  	[tilespmem:s17], [sflag:$0x2] =	stream.indirect.gather [hbm4b:s3+s10], $0x40, s1, s10, $0xb8;
	v63 =	vld [tilespmem:$0x0]  }
0x45: {  	s1 =	simm.s32 $0x3F0  }
0x46: {  	[tilespmem:s19], [sflag:$0x2] =	stream.indirect.gather [hbm4b:s3+s10], $0x40, s1, s10, $0xb8;
	v63 =	vld [tilespmem:$0x0]  }
0x47: {  	s1 =	simm.s32 $0x428  }
0x48: {  	[tilespmem:s21], [sflag:$0x2] =	stream.indirect.gather [hbm4b:s3+s10], $0x40, s1, s10, $0xb8;
	v63 =	vld [tilespmem:$0x0]  }
0x49: {  	s1 =	simm.s32 $0x460  }
0x4a: {  	[tilespmem:s2], [sflag:$0x2] =	stream.indirect.gather [hbm4b:s3+s10], $0x40, s1, s10, $0xb8;
	v63 =	vld [tilespmem:$0x0]  }
0x4b: {  	s1 =	simm.s32 $0x498  }
0x4c: {  	[tilespmem:s30], [sflag:$0x2] =	stream.indirect.gather [hbm4b:s3+s10], $0x40, s1, s10, $0xb8;
	v63 =	vld [tilespmem:$0x0]  }
0x4d: {  	s1 =	simm.s32 $0x4D0  }
0x4e: {  	[tilespmem:s16], [sflag:$0x2] =	stream.indirect.gather [hbm4b:s3+s10], $0x40, s1, s10, $0xb8;
	v63 =	vld [tilespmem:$0x0]  }
0x4f: {  	s16 =	simm.s32 $0x18F80;
	s1 =	simm.s32 $0x508  }
0x50: {  	[tilespmem:s16], [sflag:$0x2] =	stream.indirect.gather [hbm4b:s3+s10], $0x40, s1, s10, $0xb8;
	v63 =	vld [tilespmem:$0x0]  }
0x51: {  	s16 =	simm.s32 $0x19C00;
	s1 =	simm.s32 $0x540  }
0x52: {  	[tilespmem:s16], [sflag:$0x2] =	stream.indirect.gather [hbm4b:s3+s10], $0x40, s1, s10, $0xb8;
	v63 =	vld [tilespmem:$0x0]  }
0x53: {  	s16 =	simm.s32 $0x1A880;
	s1 =	simm.s32 $0x578  }
0x54: {  	[tilespmem:s16], [sflag:$0x2] =	stream.indirect.gather [hbm4b:s3+s10], $0x40, s1, s10, $0xb8;
	v63 =	vld [tilespmem:$0x0]  }
0x55: {  	s16 =	simm.s32 $0x1B500;
	s1 =	simm.s32 $0x5B0  }
0x56: {  	[tilespmem:s16], [sflag:$0x2] =	stream.indirect.gather [hbm4b:s3+s10], $0x40, s1, s10, $0xb8;
	v63 =	vld [tilespmem:$0x0]  }
0x57: {  	s16 =	simm.s32 $0x1C180;
	s1 =	simm.s32 $0x5E8  }
0x58: {  	[tilespmem:s16], [sflag:$0x2] =	stream.indirect.gather [hbm4b:s3+s10], $0x40, s1, s10, $0xb8;
	v63 =	vld [tilespmem:$0x0]  }
0x59: {  	s16 =	simm.s32 $0x1CE00;
	s1 =	simm.s32 $0x620  }
0x5a: {  	[tilespmem:s16], [sflag:$0x2] =	stream.indirect.gather [hbm4b:s3+s10], $0x40, s1, s10, $0xb8;
	v63 =	vld [tilespmem:$0x0]  }
0x5b: {  	s16 =	simm.s32 $0x1DA80;
	s1 =	simm.s32 $0x658  }
0x5c: {  	[tilespmem:s16], [sflag:$0x2] =	stream.indirect.gather [hbm4b:s3+s10], $0x40, s1, s10, $0xb8;
	v63 =	vld [tilespmem:$0x0]  }
0x5d: {  	s16 =	simm.s32 $0x1E700;
	s1 =	simm.s32 $0x690  }
0x5e: {  	[tilespmem:s16], [sflag:$0x2] =	stream.indirect.gather [hbm4b:s3+s10], $0x40, s1, s10, $0xb8;
	v63 =	vld [tilespmem:$0x0]  }
0x5f: {  	s1 =	simm.s32 $0x1F380;
	s16 =	simm.s32 $0x6C8  }
0x60: {  	[tilespmem:s1], [sflag:$0x2] =	stream.indirect.gather [hbm4b:s3+s10], $0x40, s16, s10, $0xb8;
	v63 =	vld [tilespmem:$0x0]  }
0x61: {  	_ =	swait.ge [sflag:s23], $0xC800  }
0x62: {  	[sflag:s23] =	ssyncset.done $0x0;
	s16 =	rddreg [dreg:$0x7]  }
0x63: {  	[sflag:s23] =	ssyncadd.s32 $0xFFFF3800;
	s1 =	sadd.s32 $0xFFFFE700, s16  }
0x64: {  	[hbm4b:s1+s29] =	stream.linear.scatter [tilespmem:s14], [sflag:$0x4], $0xC800, $0x38;
	v63 =	vld [tilespmem:$0x0]  }
0x65: {  	_ =	swait.ge [sflag:s25], $0xC800  }
0x66: {  	[sflag:s25] =	ssyncset.done $0x0  }
0x67: {  	s1 =	simm.s32 $0x700;
	[sflag:s25] =	ssyncadd.s32 $0xFFFF3800  }
0x68: {  	[tilespmem:s11], [sflag:$0x1] =	stream.indirect.gather [hbm4b:s3+s10], $0x40, s1, s10, $0xb8;
	v63 =	vld [tilespmem:$0x0]  }
0x69: {  	s1 =	simm.s32 $0x738  }
0x6a: {  	[tilespmem:s12], [sflag:$0x1] =	stream.indirect.gather [hbm4b:s3+s10], $0x40, s1, s10, $0xb8;
	v63 =	vld [tilespmem:$0x0]  }
0x6b: {  	s12 =	simm.s32 $0x770  }
0x6c: {  	[tilespmem:s20], [sflag:$0x1] =	stream.indirect.gather [hbm4b:s3+s10], $0x40, s12, s10, $0xb8;
	v63 =	vld [tilespmem:$0x0]  }
0x6d: {  	s12 =	simm.s32 $0x7A8  }
0x6e: {  	[tilespmem:s24], [sflag:$0x1] =	stream.indirect.gather [hbm4b:s3+s10], $0x40, s12, s10, $0xb8;
	v63 =	vld [tilespmem:$0x0]  }
0x6f: {  	s20 =	simm.s32 $0x7E0  }
0x70: {  	[tilespmem:s22], [sflag:$0x1] =	stream.indirect.gather [hbm4b:s3+s10], $0x40, s20, s10, $0xb8;
	v63 =	vld [tilespmem:$0x0]  }
0x71: {  	s22 =	simm.s32 $0x818  }
0x72: {  	[tilespmem:s0], [sflag:$0x1] =	stream.indirect.gather [hbm4b:s3+s10], $0x40, s22, s10, $0xb8;
	v63 =	vld [tilespmem:$0x0]  }
0x73: {  	s24 =	simm.s32 $0x850  }
0x74: {  	[tilespmem:s26], [sflag:$0x1] =	stream.indirect.gather [hbm4b:s3+s10], $0x40, s24, s10, $0xb8;
	v63 =	vld [tilespmem:$0x0]  }
0x75: {  	s26 =	simm.s32 $0x888  }
0x76: {  	[tilespmem:s18], [sflag:$0x1] =	stream.indirect.gather [hbm4b:s3+s10], $0x40, s26, s10, $0xb8;
	v63 =	vld [tilespmem:$0x0]  }
0x77: {  	s0 =	simm.s32 $0x8C0  }
0x78: {  	[tilespmem:s4], [sflag:$0x1] =	stream.indirect.gather [hbm4b:s3+s10], $0x40, s0, s10, $0xb8;
	v63 =	vld [tilespmem:$0x0]  }
0x79: {  	s4 =	simm.s32 $0x8F8  }
0x7a: {  	[tilespmem:s5], [sflag:$0x1] =	stream.indirect.gather [hbm4b:s3+s10], $0x40, s4, s10, $0xb8;
	v63 =	vld [tilespmem:$0x0]  }
0x7b: {  	s5 =	simm.s32 $0x930  }
0x7c: {  	[tilespmem:s6], [sflag:$0x1] =	stream.indirect.gather [hbm4b:s3+s10], $0x40, s5, s10, $0xb8;
	v63 =	vld [tilespmem:$0x0]  }
0x7d: {  	s6 =	simm.s32 $0x968  }
0x7e: {  	[tilespmem:s7], [sflag:$0x1] =	stream.indirect.gather [hbm4b:s3+s10], $0x40, s6, s10, $0xb8;
	v63 =	vld [tilespmem:$0x0]  }
0x7f: {  	s7 =	simm.s32 $0x9A0  }
0x80: {  	[tilespmem:s9], [sflag:$0x1] =	stream.indirect.gather [hbm4b:s3+s10], $0x40, s7, s10, $0xb8;
	v63 =	vld [tilespmem:$0x0]  }
0x81: {  	s9 =	simm.s32 $0x9D8  }
0x82: {  	[tilespmem:s8], [sflag:$0x1] =	stream.indirect.gather [hbm4b:s3+s10], $0x40, s9, s10, $0xb8;
	v63 =	vld [tilespmem:$0x0]  }
0x83: {  	s12 =	simm.s32 $0xA10  }
0x84: {  	[tilespmem:s13], [sflag:$0x1] =	stream.indirect.gather [hbm4b:s3+s10], $0x40, s12, s10, $0xb8;
	v63 =	vld [tilespmem:$0x0]  }
0x85: {  	s18 =	simm.s32 $0xA48  }
0x86: {  	[tilespmem:s15], [sflag:$0x1] =	stream.indirect.gather [hbm4b:s3+s10], $0x40, s18, s10, $0xb8;
	v63 =	vld [tilespmem:$0x0]  }
0x87: {  	_ =	swait.ge [sflag:s31], $0xC800  }
0x88: {  	[sflag:s31] =	ssyncset.done $0x0  }
0x89: {  	[sflag:s31] =	ssyncadd.s32 $0xFFFF3800  }
0x8a: {  	[hbm4b:s16+s29] =	stream.linear.scatter [tilespmem:s11], [sflag:$0x3], $0xC800, $0x38;
	v63 =	vld [tilespmem:$0x0]  }
0x8b: {  	_ =	swait.ge [sflag:s28], $0xC800  }
0x8c: {  	[sflag:s28] =	ssyncset.done $0x0  }
0x8d: {  	s20 =	simm.s32 $0xA80;
	[sflag:s28] =	ssyncadd.s32 $0xFFFF3800  }
0x8e: {  	[tilespmem:s14], [sflag:$0x2] =	stream.indirect.gather [hbm4b:s3+s10], $0x40, s20, s10, $0xb8;
	v63 =	vld [tilespmem:$0x0]  }
0x8f: {  	s1 =	sadd.s32 $0x3200, s16;
	s22 =	simm.s32 $0xAB8  }
0x90: {  	[tilespmem:s17], [sflag:$0x2] =	stream.indirect.gather [hbm4b:s3+s10], $0x40, s22, s10, $0xb8;
	v63 =	vld [tilespmem:$0x0]  }
0x91: {  	s24 =	simm.s32 $0xAF0;
	s26 =	simm.s32 $0xB28;
	s0 =	simm.s32 $0xB60  }
0x92: {  	[tilespmem:s19], [sflag:$0x2] =	stream.indirect.gather [hbm4b:s3+s10], $0x40, s24, s10, $0xb8;
	v63 =	vld [tilespmem:$0x0]  }
0x93: {  	s4 =	simm.s32 $0xBD0;
	s5 =	simm.s32 $0x18300;
	s6 =	simm.s32 $0xC08  }
0x94: {  	[tilespmem:s21], [sflag:$0x2] =	stream.indirect.gather [hbm4b:s3+s10], $0x40, s26, s10, $0xb8;
	v63 =	vld [tilespmem:$0x0]  }
0x95: {  	s7 =	simm.s32 $0x18F80;
	s8 =	simm.s32 $0xC40;
	s9 =	simm.s32 $0x19C00  }
0x96: {  	[tilespmem:s2], [sflag:$0x2] =	stream.indirect.gather [hbm4b:s3+s10], $0x40, s0, s10, $0xb8;
	v63 =	vld [tilespmem:$0x0]  }
0x97: {  	s12 =	simm.s32 $0x1A880;
	s13 =	simm.s32 $0xCB0;
	s2 =	simm.s32 $0xB98  }
0x98: {  	[tilespmem:s30], [sflag:$0x2] =	stream.indirect.gather [hbm4b:s3+s10], $0x40, s2, s10, $0xb8;
	v63 =	vld [tilespmem:$0x0]  }
0x99: {  	s15 =	simm.s32 $0x1B500;
	s18 =	simm.s32 $0x1C180;
	s11 =	simm.s32 $0xC78  }
0x9a: {  	[tilespmem:s5], [sflag:$0x2] =	stream.indirect.gather [hbm4b:s3+s10], $0x40, s4, s10, $0xb8;
	v63 =	vld [tilespmem:$0x0]  }
0x9b: {  	s29 =	simm.s32 $0x9580;
	s20 =	simm.s32 $0x1CE00;
	s17 =	simm.s32 $0xCE8  }
0x9c: {  	[tilespmem:s7], [sflag:$0x2] =	stream.indirect.gather [hbm4b:s3+s10], $0x40, s6, s10, $0xb8;
	v63 =	vld [tilespmem:$0x0]  }
0x9d: {  	s22 =	simm.s32 $0x1DA80;
	s19 =	simm.s32 $0xD20;
	s24 =	simm.s32 $0xD90  }
0x9e: {  	[tilespmem:s9], [sflag:$0x2] =	stream.indirect.gather [hbm4b:s3+s10], $0x40, s8, s10, $0xb8;
	v63 =	vld [tilespmem:$0x0]  }
0x9f: {  	s21 =	simm.s32 $0xD58;
	s26 =	simm.s32 $0x1E700;
	s0 =	simm.s32 $0xAE80  }
0xa0: {  	[tilespmem:s12], [sflag:$0x2] =	stream.indirect.gather [hbm4b:s3+s10], $0x40, s11, s10, $0xb8;
	v63 =	vld [tilespmem:$0x0]  }
0xa1: {  	s30 =	simm.s32 $0x1C00;
	s2 =	simm.s32 $0x16A00;
	s4 =	simm.s32 $0xD400  }
0xa2: {  	[tilespmem:s15], [sflag:$0x2] =	stream.indirect.gather [hbm4b:s3+s10], $0x40, s13, s10, $0xb8;
	v63 =	vld [tilespmem:$0x0]  }
0xa3: {  	s5 =	simm.s32 $0xE080;
	s6 =	simm.s32 $0xED00;
	s7 =	simm.s32 $0xF980  }
0xa4: {  	[tilespmem:s18], [sflag:$0x2] =	stream.indirect.gather [hbm4b:s3+s10], $0x40, s17, s10, $0xb8;
	v63 =	vld [tilespmem:$0x0]  }
0xa5: {  	s9 =	simm.s32 $0x10600;
	s8 =	simm.s32 $0x11280;
	s12 =	simm.s32 $0xDC8  }
0xa6: {  	[tilespmem:s20], [sflag:$0x2] =	stream.indirect.gather [hbm4b:s3+s10], $0x40, s19, s10, $0xb8;
	v63 =	vld [tilespmem:$0x0]  }
0xa7: {  	s13 =	simm.s32 $0x11F00;
	s15 =	simm.s32 $0x12B80;
	s18 =	simm.s32 $0xC780  }
0xa8: {  	[tilespmem:s22], [sflag:$0x2] =	stream.indirect.gather [hbm4b:s3+s10], $0x40, s21, s10, $0xb8;
	v63 =	vld [tilespmem:$0x0]  }
0xa9: {  	s17 =	simm.s32 $0x14480;
	s19 =	simm.s32 $0x15100;
	s20 =	simm.s32 $0x7C80  }
0xaa: {  	[tilespmem:s26], [sflag:$0x2] =	stream.indirect.gather [hbm4b:s3+s10], $0x40, s24, s10, $0xb8;
	v63 =	vld [tilespmem:$0x0]  }
0xab: {  	s21 =	simm.s32 $0x15D80;
	s24 =	simm.s32 $0x7000;
	s26 =	simm.s32 $0xBB00  }
.LBB2_2:
0xac: {  	s11 =	simm.s32 $0x1F380  }
0xad: {  	[tilespmem:s11], [sflag:$0x2] =	stream.indirect.gather [hbm4b:s3+s10], $0x40, s12, s10, $0xb8;
	v63 =	vld [tilespmem:$0x0]  }
0xae: {  	s12 =	smov.u32 s30  }
0xaf: {  	p0 =	sne.s32 s30, $0x18800;
	s30 =	sadd.s32 $0x1C00, s30;
	_ =	swait.ge [sflag:s23], $0xC800  }
0xb0: {  	[sflag:s23] =	ssyncset.done $0x0  }
0xb1: {  	s16 =	sadd.s32 $0xFFFFE700, s1;
	s11 =	simm.s32 $0x0;
	[sflag:s23] =	ssyncadd.s32 $0xFFFF3800  }
0xb2: {  	[hbm4b:s16+s11] =	stream.linear.scatter [tilespmem:s14], [sflag:$0x4], $0xC800, $0x38;
	v63 =	vld [tilespmem:$0x0]  }
0xb3: {  	_ =	swait.ge [sflag:s25], $0xC800  }
0xb4: {  	s12 =	sshra.s32 s12, $0x2;
	[sflag:s25] =	ssyncset.done $0x0  }
0xb5: {  	s16 =	sadd.s32 $0x700, s12;
	[sflag:s25] =	ssyncadd.s32 $0xFFFF3800  }
0xb6: {  	[tilespmem:s24], [sflag:$0x1] =	stream.indirect.gather [hbm4b:s3+s10], $0x40, s16, s10, $0xb8;
	v63 =	vld [tilespmem:$0x0]  }
0xb7: {  	s16 =	sadd.s32 $0x738, s12  }
0xb8: {  	[tilespmem:s20], [sflag:$0x1] =	stream.indirect.gather [hbm4b:s3+s10], $0x40, s16, s10, $0xb8;
	v63 =	vld [tilespmem:$0x0]  }
0xb9: {  	s22 =	simm.s32 $0x8900;
	s16 =	sadd.s32 $0x770, s12  }
0xba: {  	[tilespmem:s22], [sflag:$0x1] =	stream.indirect.gather [hbm4b:s3+s10], $0x40, s16, s10, $0xb8;
	v63 =	vld [tilespmem:$0x0]  }
0xbb: {  	s16 =	sadd.s32 $0x7A8, s12  }
0xbc: {  	[tilespmem:s29], [sflag:$0x1] =	stream.indirect.gather [hbm4b:s3+s10], $0x40, s16, s10, $0xb8;
	v63 =	vld [tilespmem:$0x0]  }
0xbd: {  	s22 =	simm.s32 $0xA200;
	s16 =	sadd.s32 $0x7E0, s12  }
0xbe: {  	[tilespmem:s22], [sflag:$0x1] =	stream.indirect.gather [hbm4b:s3+s10], $0x40, s16, s10, $0xb8;
	v63 =	vld [tilespmem:$0x0]  }
0xbf: {  	s16 =	sadd.s32 $0x818, s12  }
0xc0: {  	[tilespmem:s0], [sflag:$0x1] =	stream.indirect.gather [hbm4b:s3+s10], $0x40, s16, s10, $0xb8;
	v63 =	vld [tilespmem:$0x0]  }
0xc1: {  	s16 =	sadd.s32 $0x850, s12  }
0xc2: {  	[tilespmem:s26], [sflag:$0x1] =	stream.indirect.gather [hbm4b:s3+s10], $0x40, s16, s10, $0xb8;
	v63 =	vld [tilespmem:$0x0]  }
0xc3: {  	s16 =	sadd.s32 $0x888, s12  }
0xc4: {  	[tilespmem:s18], [sflag:$0x1] =	stream.indirect.gather [hbm4b:s3+s10], $0x40, s16, s10, $0xb8;
	v63 =	vld [tilespmem:$0x0]  }
0xc5: {  	s16 =	sadd.s32 $0x8C0, s12  }
0xc6: {  	[tilespmem:s4], [sflag:$0x1] =	stream.indirect.gather [hbm4b:s3+s10], $0x40, s16, s10, $0xb8;
	v63 =	vld [tilespmem:$0x0]  }
0xc7: {  	s16 =	sadd.s32 $0x8F8, s12  }
0xc8: {  	[tilespmem:s5], [sflag:$0x1] =	stream.indirect.gather [hbm4b:s3+s10], $0x40, s16, s10, $0xb8;
	v63 =	vld [tilespmem:$0x0]  }
0xc9: {  	s16 =	sadd.s32 $0x930, s12  }
0xca: {  	[tilespmem:s6], [sflag:$0x1] =	stream.indirect.gather [hbm4b:s3+s10], $0x40, s16, s10, $0xb8;
	v63 =	vld [tilespmem:$0x0]  }
0xcb: {  	s16 =	sadd.s32 $0x968, s12  }
0xcc: {  	[tilespmem:s7], [sflag:$0x1] =	stream.indirect.gather [hbm4b:s3+s10], $0x40, s16, s10, $0xb8;
	v63 =	vld [tilespmem:$0x0]  }
0xcd: {  	s16 =	sadd.s32 $0x9A0, s12  }
0xce: {  	[tilespmem:s9], [sflag:$0x1] =	stream.indirect.gather [hbm4b:s3+s10], $0x40, s16, s10, $0xb8;
	v63 =	vld [tilespmem:$0x0]  }
0xcf: {  	s16 =	sadd.s32 $0x9D8, s12  }
0xd0: {  	[tilespmem:s8], [sflag:$0x1] =	stream.indirect.gather [hbm4b:s3+s10], $0x40, s16, s10, $0xb8;
	v63 =	vld [tilespmem:$0x0]  }
0xd1: {  	s16 =	sadd.s32 $0xA10, s12  }
0xd2: {  	[tilespmem:s13], [sflag:$0x1] =	stream.indirect.gather [hbm4b:s3+s10], $0x40, s16, s10, $0xb8;
	v63 =	vld [tilespmem:$0x0]  }
0xd3: {  	s16 =	sadd.s32 $0xA48, s12  }
0xd4: {  	[tilespmem:s15], [sflag:$0x1] =	stream.indirect.gather [hbm4b:s3+s10], $0x40, s16, s10, $0xb8;
	v63 =	vld [tilespmem:$0x0]  }
0xd5: {  	_ =	swait.ge [sflag:s31], $0xC800  }
0xd6: {  	[sflag:s31] =	ssyncset.done $0x0  }
0xd7: {  	s22 =	simm.s32 $0x0;
	[sflag:s31] =	ssyncadd.s32 $0xFFFF3800  }
0xd8: {  	[hbm4b:s1+s11] =	stream.linear.scatter [tilespmem:s24], [sflag:$0x3], $0xC800, $0x38;
	v63 =	vld [tilespmem:$0x0]  }
0xd9: {  	_ =	swait.ge [sflag:s28], $0xC800  }
0xda: {  	[sflag:s28] =	ssyncset.done $0x0  }
0xdb: {  	s16 =	sadd.s32 $0xA80, s12;
	[sflag:s28] =	ssyncadd.s32 $0xFFFF3800  }
0xdc: {  	[tilespmem:s14], [sflag:$0x2] =	stream.indirect.gather [hbm4b:s3+s10], $0x40, s16, s10, $0xb8;
	v63 =	vld [tilespmem:$0x0]  }
0xdd: {  	s16 =	sadd.s32 $0xAB8, s12  }
0xde: {  	[tilespmem:s17], [sflag:$0x2] =	stream.indirect.gather [hbm4b:s3+s10], $0x40, s16, s10, $0xb8;
	v63 =	vld [tilespmem:$0x0]  }
0xdf: {  	s16 =	sadd.s32 $0xAF0, s12  }
0xe0: {  	[tilespmem:s19], [sflag:$0x2] =	stream.indirect.gather [hbm4b:s3+s10], $0x40, s16, s10, $0xb8;
	v63 =	vld [tilespmem:$0x0]  }
0xe1: {  	s16 =	sadd.s32 $0xB28, s12  }
0xe2: {  	[tilespmem:s21], [sflag:$0x2] =	stream.indirect.gather [hbm4b:s3+s10], $0x40, s16, s10, $0xb8;
	v63 =	vld [tilespmem:$0x0]  }
0xe3: {  	s16 =	sadd.s32 $0xB60, s12  }
0xe4: {  	[tilespmem:s2], [sflag:$0x2] =	stream.indirect.gather [hbm4b:s3+s10], $0x40, s16, s10, $0xb8;
	v63 =	vld [tilespmem:$0x0]  }
0xe5: {  	s11 =	simm.s32 $0x17680;
	s16 =	sadd.s32 $0xB98, s12  }
0xe6: {  	[tilespmem:s11], [sflag:$0x2] =	stream.indirect.gather [hbm4b:s3+s10], $0x40, s16, s10, $0xb8;
	v63 =	vld [tilespmem:$0x0]  }
0xe7: {  	s16 =	sadd.s32 $0xBD0, s12;
	s11 =	simm.s32 $0x18300  }
0xe8: {  	[tilespmem:s11], [sflag:$0x2] =	stream.indirect.gather [hbm4b:s3+s10], $0x40, s16, s10, $0xb8;
	v63 =	vld [tilespmem:$0x0]  }
0xe9: {  	s16 =	sadd.s32 $0xC08, s12;
	s11 =	simm.s32 $0x18F80  }
0xea: {  	[tilespmem:s11], [sflag:$0x2] =	stream.indirect.gather [hbm4b:s3+s10], $0x40, s16, s10, $0xb8;
	v63 =	vld [tilespmem:$0x0]  }
0xeb: {  	s16 =	sadd.s32 $0xC40, s12;
	s11 =	simm.s32 $0x19C00  }
0xec: {  	[tilespmem:s11], [sflag:$0x2] =	stream.indirect.gather [hbm4b:s3+s10], $0x40, s16, s10, $0xb8;
	v63 =	vld [tilespmem:$0x0]  }
0xed: {  	s16 =	sadd.s32 $0xC78, s12;
	s11 =	simm.s32 $0x1A880  }
0xee: {  	[tilespmem:s11], [sflag:$0x2] =	stream.indirect.gather [hbm4b:s3+s10], $0x40, s16, s10, $0xb8;
	v63 =	vld [tilespmem:$0x0]  }
0xef: {  	s16 =	sadd.s32 $0xCB0, s12;
	s11 =	simm.s32 $0x1B500  }
0xf0: {  	[tilespmem:s11], [sflag:$0x2] =	stream.indirect.gather [hbm4b:s3+s10], $0x40, s16, s10, $0xb8;
	v63 =	vld [tilespmem:$0x0]  }
0xf1: {  	s16 =	sadd.s32 $0xCE8, s12;
	s11 =	simm.s32 $0x1C180  }
0xf2: {  	[tilespmem:s11], [sflag:$0x2] =	stream.indirect.gather [hbm4b:s3+s10], $0x40, s16, s10, $0xb8;
	v63 =	vld [tilespmem:$0x0]  }
0xf3: {  	s16 =	sadd.s32 $0xD20, s12;
	s11 =	simm.s32 $0x1CE00  }
0xf4: {  	[tilespmem:s11], [sflag:$0x2] =	stream.indirect.gather [hbm4b:s3+s10], $0x40, s16, s10, $0xb8;
	v63 =	vld [tilespmem:$0x0]  }
.Ltmp0:
0xf5: {  	s16 =	sadd.s32 $0xD58, s12;
	s11 =	simm.s32 $0x1DA80;
	(pc) =	sbr.rel @p0 .LBB2_2-.Ltmp0, $4  }
0xf6: {  	[tilespmem:s11], [sflag:$0x2] =	stream.indirect.gather [hbm4b:s3+s10], $0x40, s16, s10, $0xb8;
	v63 =	vld [tilespmem:$0x0]  }
0xf7: {  	s16 =	sadd.s32 $0xD90, s12;
	s11 =	simm.s32 $0x1E700  }
0xf8: {  	[tilespmem:s11], [sflag:$0x2] =	stream.indirect.gather [hbm4b:s3+s10], $0x40, s16, s10, $0xb8;
	v63 =	vld [tilespmem:$0x0]  }
0xf9: {  	s1 =	sadd.s32 $0x3200, s1;
	s12 =	sadd.s32 $0xDC8, s12  }
0xfa: {  	s0 =	simm.s32 $0x1F380  }
0xfb: {  	[tilespmem:s0], [sflag:$0x2] =	stream.indirect.gather [hbm4b:s3+s10], $0x40, s12, s10, $0xb8;
	v63 =	vld [tilespmem:$0x0]  }
0xfc: {  	_ =	swait.ge [sflag:s23], $0xC800  }
0xfd: {  	[sflag:s23] =	ssyncset.done $0x0  }
0xfe: {  	s1 =	rddreg [dreg:$0x5];
	[sflag:s23] =	ssyncadd.s32 $0xFFFF3800  }
0xff: {  	[hbm4b:s1+s22] =	stream.linear.scatter [tilespmem:s14], [sflag:$0x4], $0xC800, $0x38;
	v63 =	vld [tilespmem:$0x0]  }
0x100: {  	_ =	swait.ge [sflag:s25], $0xC800  }
0x101: {  	s20 =	simm.s32 $0x8900;
	[sflag:s25] =	ssyncset.done $0x0  }
0x102: {  	s24 =	simm.s32 $0x9580;
	s18 =	simm.s32 $0xC780;
	[sflag:s25] =	ssyncadd.s32 $0xFFFF3800  }
0x103: {  	s4 =	simm.s32 $0xD400;
	s5 =	simm.s32 $0xE080;
	_ =	swait.ge [sflag:s28], $0xC800  }
0x104: {  	s6 =	simm.s32 $0xED00;
	s7 =	simm.s32 $0xF980;
	s29 =	rddreg [dreg:$0x8]  }
0x105: {  	s9 =	simm.s32 $0x10600;
	s26 =	rddreg [dreg:$0x6];
	s29 =	sadd.s32 $0x1, s29  }
0x106: {  	s8 =	simm.s32 $0x11280;
	s13 =	simm.s32 $0x11F00;
	p0 =	sne.s32 s29, s26  }
.Ltmp1:
0x107: {  	s15 =	simm.s32 $0x12B80;
	s17 =	simm.s32 $0x14480;
	(pc) =	sbr.rel @p0 .LBB2_1-.Ltmp1, $4  }
0x108: {  	s19 =	simm.s32 $0x15100;
	s21 =	simm.s32 $0x15D80;
	s2 =	simm.s32 $0x16A00  }
0x109: {  	s11 =	simm.s32 $0x7000;
	s30 =	simm.s32 $0x17680;
	s16 =	simm.s32 $0x18300  }
0x10a: {  	s12 =	simm.s32 $0x7C80;
	s0 =	simm.s32 $0xAE80;
	[sflag:s28] =	ssyncset.done $0x0  }
0x10b: {  	s22 =	simm.s32 $0xA200;
	[sflag:s28] =	ssyncadd.s32 $0xFFFF3800;
	s26 =	simm.s32 $0xBB00  }
0x10c: {  	_ =	sfence.sel $0x180000  }
0x10d: {  	[bflag:$0x0] =	sbarrier.arrive $0xFFFF  }
0x10e: {  	_ =	strace $0x90000047  }
0x10f: {  	s0 =	stileid.u32;
	[bflag:$0x2] =	sbarrier.arrive $0xFFFF  }
0x110: {  	p0 =	sne.s32 s0, $0x0;
	s0 =	rddreg [dreg:$0x2]  }
0x111: {  	s0 =	sadd.s32 @!p0 $0x100000, s0  }
0x112: {  	[sflag:s0] =	ssyncadd.tile.s32 @!p0 $0x1;
	_ =	shalt  }
.Lfunc_end2:
_tile_overlayer_lowered:
.L_overlay_start_2:
0x113: {  	(tag) =	ssettag $0x2  }
0x114: {  	s0 =	rddreg [dreg:$0x0];
	s2 =	stileid.u32  }
0x115: {  	s1 =	rddreg [dreg:$0x1];
	p0 =	sne.s32 s2, $0x0  }
0x116: {  	s3 =	rddreg [dreg:$0x2];
	[bflag:$0x3] =	sbarrier.arrive $0xFFFF;
	s2 =	simm.s32 @!p0 $0x1C05  }
0x117: {  	[timem:s3], [sflag:s2] =	dma.local @!p0 [hbm:s0], s1  }
0x118: {  	s0 =	simm.s32 @!p0 $0x5  }
0x119: {  	_ =	swait.ge @!p0 [sflag:s0], s1  }
0x11a: {  	s1 =	ssub.s32 @!p0 $0x0, s1;
	[sflag:s0] =	ssyncset.done @!p0 $0x0  }
0x11b: {  	[sflag:s0] =	ssyncadd.s32 @!p0 s1  }
0x11c: {  	[bflag:$0x3] =	sbarrier.arrive $0xFFFF  }
0x11d: {  	_ =	shalt  }

// kernel: sparse-core-data-format-call.cloned.1.call-start
scs
called_computation_lowered:
.L_overlay_start_0:
0x0: {  	s2 =	sld [smem:$0x3FD9]  }
0x1: {  	s3 =	sld [smem:$0x3FFE];
	_ =	sdelay $0x1  }
0x2: {  	s1 =	srdreg.scid  }
0x3: {  	s0 =	sand.u32 $0x1, s1  }
0x4: {  	s18 =	sshll.u32 s0, $0xA;
	s2 =	sadd.s32 s3, s2  }
0x5: {  	s2 =	sadd.s32 s2, s18  }
0x6: {  	[smem:$0x3FC6] =	sst s2  }
0x7: {  	_ = 	snop  }
0x8: {  	s2 =	sld [smem:$0x3FD0];
	(tm) =	ssettm $0x1  }
0x9: {  	s19 =	sld [smem:$0x3FFB];
	_ =	sdelay $0x3  }
0xa: {  	_ =	strace s19  }
0xb: {  	s3 =	sld [smem:$0x3FFC];
	_ =	sdelay $0x3  }
0xc: {  	_ =	strace s3  }
0xd: {  	s3 =	sld [smem:$0x3FFD];
	_ =	sdelay $0x3  }
0xe: {  	_ =	strace s3  }
0xf: {  	_ =	strace $0x8FFFFFFF  }
0x10: {  	s20 =	sld [smem:$0x3FDB];
	_ =	sdelay $0x1  }
0x11: {  	s4 =	simm.s32 $_scs_section_size  }
0x12: {  	s5 =	simm.s32 $_size__tile_overlayer_lowered;
	s6 =	simm.s32 $_tile_overlayer_lowered  }
0x13: {  	s23 =	simm.s32 $0x1BFF;
	s22 =	sshll.u32 s6, $0x1;
	s3 =	sadd.s32 s4, s20  }
0x14: {  	s7 =	simm.s32 $0x0;
	s21 =	sshll.u32 s5, $0x1;
	s5 =	sadd.s32 s22, s3  }
0x15: {  	[timem:s7], [sflag:s23] =	dma.local [hbm:s5], s21  }
0x16: {  	_ =	swait.ge [sflag:s23], s21  }
0x17: {  	s4 =	ssub.s32 $0x0, s21;
	[sflag:s23] =	ssyncset.done $0x0  }
0x18: {  	[sflag:s23] =	ssyncadd.s32 s4;
	_ =	sdelay $0x1  }
0x19: {  	s24 =	simm.s32 $0x1B8B  }
0x1a: {  	_ =	swait.ge [sflag:s24], $0x1  }
0x1b: {  	[sflag:s24] =	ssyncset.done $0x0  }
0x1c: {  	s26 =	simm.s32 $0x1B8E;
	s25 =	sld [smem:$0x3FFE];
	[sflag:s24] =	ssyncadd.s32 $0xFFFFFFFF  }
0x1d: {  	s27 =	simm.s32 $execute0_lowered;
	[smem:$0x3FD2] =	sst s26  }
0x1e: {  	s5 =	sshll.u32 s27, $0x1;
	_ =	strace $0x80000049;
	[dreg:$0x1] =	wrdreg $0xFFFFFFFF  }
0x1f: {  	s28 =	simm.s32 $_size_execute0_lowered;
	s3 =	sadd.s32 s3, s5;
	[dreg:$0x0] =	wrdreg $0x0  }
0x20: {  	s5 =	sshll.u32 s28, $0x1;
	[dreg:$0x2] =	wrdreg s3  }
0x21: {  	[dreg:$0x3] =	wrdreg s5  }
0x22: {  	[dreg:$0x4] =	wrdreg $0xC0  }
0x23: {  	_ =	task [dreg:s7], $0x5FFFF  }
0x24: {  	[dreg:$0x1] =	wrdreg $0xFFFFFFFF  }
0x25: {  	[dreg:$0x0] =	wrdreg $0x60  }
0x26: {  	[dreg:$0x2] =	wrdreg s25  }
0x27: {  	[dreg:$0x3] =	wrdreg s2  }
0x28: {  	[dreg:$0x4] =	wrdreg $0x9  }
0x29: {  	_ =	task.clear_ibuf [dreg:s7], $0x5FFFF;
	_ =	strace $0x90000049  }
0x2a: {  	s29 =	simm.s32 $0x9;
	_ =	strace $0x8000004B  }
0x2b: {  	_ =	swait.ge [sflag:s29], $0x1  }
0x2c: {  	[sflag:s29] =	ssyncadd.s32 $0xFFFFFFFF  }
0x2d: {  	_ =	strace $0x9000004B  }
0x2e: {  	_ =	sfence  }
0x2f: {  	s30 =	sld [smem:$0x0];
	_ =	sdelay $0x2  }
0x30: {  	s31 =	sshll.u32 s1, $0xD;
	s1 =	sshrl.u32 s1, $0x2  }
0x31: {  	s3 =	sand.u32 $0x4000, s31;
	s1 =	sadd.s32 s1, s30  }
0x32: {  	s0 =	sor.u32 s3, s0;
	s1 =	sshll.u32 s1, $0x11  }
0x33: {  	s0 =	sor.u32 s1, s0  }
0x34: {  	s0 =	sadd.s32 $0x8F2B, s0  }
0x35: {  	[sflag:s0] =	ssyncadd.remote.s32 $0x1  }
0x36: {  	_ =	sfence.sel $0xFFFF  }
0x37: {  	[dreg:$0x0] =	wrdreg $0xFFFFFFFF;
	(pc) =	sbr.abs _section_cstart, $3  }
0x38: {  	[dreg:$0x1] =	wrdreg $0xFFFFFFFF  }
0x39: {  	_ =	task.clear_ibuf [dreg:s7], $0x2FFFF;
	_ =	strace $0x9FFFFFFF  }
0x3a: {  	(tm) =	ssettm $0x7FFFFFFF  }
0x3b: {  	_ =	shalt  }
tec
execute0_lowered:
.L_overlay_start_1:
0x0: {  	(tag) =	ssettag $0x1  }
0x1: {  	s0 =	srdreg.scid  }
0x2: {  	s1 =	sshll.u32 s0, $0x4  }
0x3: {  	s0 =	stileid.u32;
	s1 =	sand.u32 $0x10, s1  }
0x4: {  	s1 =	sor.u32 s0, s1  }
0x5: {  	s6 =	rddreg [dreg:$0x0];
	s4 =	simm.s32 $0x1;
	s2 =	sshll.u32 s1, $0x7  }
0x6: {  	s7 =	simm.s32 $0x2;
	s12 =	simm.s32 $0x0;
	s1 =	ssub.s32 $0x4000, s2  }
0x7: {  	s8 =	simm.s32 $0x20000;
	s13 =	simm.s32 $0x0;
	s3 =	sand.u32 $0xF80, s1  }
0x8: {  	s9 =	simm.s32 $0x0;
	s5 =	sshrl.u32 s1, $0xC;
	p0 =	sne.s32 s3, $0x0  }
.Ltmp0:
0x9: {  	s1 =	rddreg [dreg:$0x2];
	s4 =	simm.s32 @!p0 $0x0;
	(pc) =	sbr.rel .LBB1_1-.Ltmp0, $4  }
0xa: {  	s11 =	simm.s32 $0x0;
	s3 =	rddreg [dreg:$0x1];
	s5 =	sadd.s32 s4, s5  }
0xb: {  	_ =	strace $0x8000004A;
	s4 =	simm.s32 $0x1;
	s5 =	smul.u32 $0x32, s5  }
0xc: {  	s6 =	sadd.s32 $0xA00, s6;
	s10 =	smov.u32 s2;
	[sflag:s4] =	ssyncpa.u1 $0x0  }
0xd: {  	p0 =	por $0x0, $0x0;
	[sflag:s7] =	ssyncpa.u1 $0x0;
	s7 =	sor.u32 $0x1, s5  }
.LBB1_4:
0xe: {  	s16 =	sshll.u32 s13, $0x3;
	s17 =	sand.u32 $0x78, s13  }
0xf: {  	s30 =	sand.u32 $0x1F800, s13;
	s12 =	sshll.u32 s12, $0x11;
	s16 =	sand.u32 $0x3C00, s16  }
0x10: {  	[tilespmem:s15+$0x810 ss:$0x81] =	vst.msk $0xffff, v2;
	s31 =	sand.u32 $0x7, s13;
	s16 =	sor.u32 s17, s16;
	s17 =	sadd.s32 s3, s30  }
0x11: {  	[tilespmem:s15+$0x1020 ss:$0x81] =	vst.msk $0xffff, v0;
	s13 =	sshll.u32 s31, $0x12;
	s12 =	sadd.s32 s12, s17;
	s16 =	sshrl.u32 s16, $0x3  }
0x12: {  	[tilespmem:s15+$0x0 ss:$0x81] =	vst.msk $0xffff, v1;
	s13 =	sor.u32 $0x400, s13;
	s12 =	sadd.s32 s16, s12  }
0x13: {  	[hbm4b:s12+s13] =	stream.strided.scatter [tilespmem:s14], [sflag:$0x2], $0x2000, s8, s13, $0x20;
	[tilespmem:$0x8080] =	vst v63  }
.LBB1_5:
0x14: {  	s14 =	sadd.s32 $0x1, s9  }
0x15: {  	s12 =	sadd.s32 $0x1000, s10;
	s16 =	smov.u32 s10;
	p2 =	sgt.s32 s14, $0x31  }
0x16: {  	s16 =	smov.u32 @p2 s12  }
0x17: {  	s14 =	simm.s32 @p2 $0x0;
	p2 =	sgt.s32 s16, $0x3FFF  }
0x18: {  	s16 =	smov.u32 @p2 s2;
	p2 =	sne.s32 s11, s7  }
.Ltmp1:
0x19: {  	p1 =	slt.u32 s11, $0x2;
	(pc) =	sbr.rel @!p2 .LBB1_6-.Ltmp1, $4  }
0x1a: {  	s15 =	simm.s32 @!p1 $0x2  }
0x1b: {  	s13 =	smov.u32 s10;
	p0 =	por !p0, !p0;
	_ =	swait.ge @!p1 [sflag:s15], $0x2000  }
0x1c: {  	s12 =	smov.u32 s9;
	[sflag:s15] =	ssyncset.done @!p1 $0x0;
	s9 =	smov.u32 s14  }
0x1d: {  	s11 =	sadd.s32 $0x1, s11;
	[sflag:s15] =	ssyncadd.s32 @!p1 $0xFFFFE000;
	s10 =	smov.u32 s16  }
.LBB1_1:
0x1e: {  	p1 =	sge.u32 s11, s5  }
0x1f: {  	s14 =	sand.u32 @!p1 $0x1FFFFFF, s9  }
0x20: {  	s15 =	smulhi.u32 @!p1 $0x4924925, s14;
	_ =	sdelay $0x1  }
0x21: {  	s15 =	smul.u32 @!p1 $0x38, s15  }
0x22: {  	s16 =	sxor.u32 @!p1 $0xFFFFFFFF, s11;
	s17 =	smul.u32 @!p1 $0x380, s10  }
0x23: {  	s31 =	sadd.s32 $0xFFFFFFFF, s11;
	s16 =	sshll.u32 @!p1 s16, $0xD;
	s14 =	ssub.s32 @!p1 s14, s15  }
0x24: {  	s15 =	sand.u32 @!p1 $0x2000, s16;
	s16 =	sadd.s32 @!p1 s6, s17;
	s14 =	sshll.u32 @!p1 s14, $0x4  }
0x25: {  	s17 =	simm.s32 @!p1 $0x1C00;
	s14 =	sadd.s32 @!p1 s14, s16;
	s16 =	simm.s32 @!p1 $0x40  }
0x26: {  	[tilespmem:s15], [sflag:$0x1] =	stream.strided.gather @!p1 [hbm4b:s14+s16], $0x2000, s17, s16, $0x38;
	[tilespmem:$0x8080] =	vst v63  }
0x27: {  	p1 =	sge.u32 s31, s5  }
.Ltmp2:
0x28: {  	_ = 	snop;
	(pc) =	sbr.rel @p1 .LBB1_5-.Ltmp2, $1  }
0x29: {  	_ =	sdelay $0x3  }
0x2a: {  	s14 =	simm.s32 $0x1  }
0x2b: {  	_ =	swait.ge [sflag:s4], $0x2000;
	s14 =	simm.s32 @!p0 $0x0  }
0x2c: {  	[sflag:s4] =	ssyncset.done $0x0;
	s15 =	sshll.u32 s14, $0xD  }
0x2d: {  	[sflag:s4] =	ssyncadd.s32 $0xFFFFE000;
	s18 =	sor.u32 $0x20, s15  }
0x2e: {  	s14 =	smul.u32 $0x8100, s14;
	v3 =	vld [tilespmem:s18+$0x10]  }
0x2f: {  	s30 =	sand.u32 $0x1, s11;
	v2 =	vld [tilespmem:s18+$0xFFFFFFF0]  }
0x30: {  	s15 =	smul.u32 $0x8100, s30;
	s14 =	sshrl.u32 s14, $0x2;
	v0 =	vld [tilespmem:s18+$0x0]  }
0x31: {  	v1 =	vld [tilespmem:s18+$0xFFFFFFE0];
	s16 =	sor.u32 $0x4000, s14  }
0x32: {  	s31 =	sshrl.u32 s15, $0x2;
	s15 =	sadd.s32 $0x0, s16  }
0x33: {  	s17 =	simm.s32 $0x4;
	s18 =	sadd.s32 $0x40, s18;
	s14 =	sor.u32 $0x4000, s31;
	[tilespmem:s15+$0x1830 ss:$0x81] =	vst.msk $0xffff, v3  }
.LBB1_3:
0x34: {  	v3 =	vld [tilespmem:s18+$0x10];
	p1 =	sne.s32 s17, $0x1FC;
	[tilespmem:s15+$0x810 ss:$0x81] =	vst.msk $0xffff, v2;
	s19 =	smov.u32 s17;
	s17 =	sadd.s32 $0x4, s17  }
.Ltmp3:
0x35: {  	v2 =	vld [tilespmem:s18+$0xFFFFFFF0];
	[tilespmem:s15+$0x1020 ss:$0x81] =	vst.msk $0xffff, v0;
	(pc) =	sbr.rel @p1 .LBB1_3-.Ltmp3, $4  }
0x36: {  	v0 =	vld [tilespmem:s18+$0x0];
	[tilespmem:s15+$0x0 ss:$0x81] =	vst.msk $0xffff, v1  }
0x37: {  	s15 =	sshra.s32 s19, $0x2;
	v1 =	vld [tilespmem:s18+$0xFFFFFFE0]  }
0x38: {  	s15 =	sadd.s32 s15, s16  }
0x39: {  	s18 =	sadd.s32 $0x40, s18;
	[tilespmem:s15+$0x1830 ss:$0x81] =	vst.msk $0xffff, v3  }
.Ltmp4:
0x3a: {  	_ = 	snop;
	(pc) =	sbr.rel .LBB1_4-.Ltmp4, $1  }
0x3b: {  	_ =	sdelay $0x3  }
.LBB1_6:
0x3c: {  	_ =	sfence.sel $0x180000  }
0x3d: {  	s2 =	simm.s32 $0x1;
	[bflag:$0x0] =	sbarrier.arrive $0xFFFF  }
0x3e: {  	s31 =	simm.s32 $0x2;
	[sflag:s2] =	ssyncpa.u1 $0x1  }
0x3f: {  	[sflag:s31] =	ssyncpa.u1 $0x1  }
0x40: {  	p0 =	sne.s32 s0, $0x0;
	_ =	strace $0x9000004A  }
0x41: {  	s0 =	sadd.s32 @!p0 $0x100000, s1;
	[bflag:$0x2] =	sbarrier.arrive $0xFFFF  }
0x42: {  	[sflag:s0] =	ssyncadd.tile.s32 @!p0 $0x1;
	_ =	shalt  }
.Lfunc_end1:
_tile_overlayer_lowered:
.L_overlay_start_2:
0x43: {  	(tag) =	ssettag $0x2  }
0x44: {  	s0 =	rddreg [dreg:$0x0];
	s2 =	stileid.u32  }
0x45: {  	s1 =	rddreg [dreg:$0x1];
	p0 =	sne.s32 s2, $0x0  }
0x46: {  	s3 =	rddreg [dreg:$0x2];
	[bflag:$0x3] =	sbarrier.arrive $0xFFFF;
	s2 =	simm.s32 @!p0 $0x1C01  }
0x47: {  	[timem:s3], [sflag:s2] =	dma.local @!p0 [hbm:s0], s1  }
0x48: {  	s0 =	simm.s32 @!p0 $0x1  }
0x49: {  	_ =	swait.ge @!p0 [sflag:s0], s1  }
0x4a: {  	s1 =	ssub.s32 @!p0 $0x0, s1;
	[sflag:s0] =	ssyncset.done @!p0 $0x0  }
0x4b: {  	[sflag:s0] =	ssyncadd.s32 @!p0 s1  }
0x4c: {  	[bflag:$0x3] =	sbarrier.arrive $0xFFFF  }
0x4d: {  	_ =	shalt  }

</sc_bundles>
